<compile_context>
chip_gen: v7x
topology: tpu7x:2x2x1
jax: 0.10.2.dev20260603
libtpu: 0.0.44.dev20260713+nightly
codegen_flags: <defaults>
</compile_context>

<pallas_src>
import functools

import jax
import jax.numpy as jnp
from jax import lax
from jax.experimental import pallas as pl
from jax.experimental.pallas import tpu as pltpu
from jax.experimental.pallas import tpu_sc as plsc

_N = 10000
_E = 320000
_D = 128
_B = 256

_NCORE = 2
_NSUB = 16
_NW = _NCORE * _NSUB
_CH = 128
_NCHUNK = 79
_EPW = _CH * _NCHUNK
_NACC = 10112
_RPT = _NACC // _NSUB
_NB = 1000
_GRID = _N // _NB



def _sc_mesh():
    return plsc.VectorSubcoreMesh(core_axis_name="c", subcore_axis_name="s")


@functools.partial(
    pl.kernel,
    mesh=_sc_mesh(),
    out_type=jax.ShapeDtypeStruct((_NCORE, _NACC, _D), jnp.float32),
    scratch_types=[
        pltpu.VMEM((_NCHUNK, _CH), jnp.int32),
        pltpu.VMEM((_CH, _D), jnp.float32),
        pltpu.VMEM_SHARED((_NACC, _D), jnp.float32),
    ],
)
def _sc_degree(dst3, ones_h, zeros_h, out, dst_v, ones_v, acc_sh):
    cid = lax.axis_index("c")
    sid = lax.axis_index("s")
    w = cid * _NSUB + sid
    pltpu.sync_copy(zeros_h, acc_sh.at[pl.ds(sid * _RPT, _RPT)])
    pltpu.sync_copy(ones_h, ones_v)
    pltpu.sync_copy(dst3.at[w], dst_v)
    plsc.subcore_barrier()

    def body(j, carry):
        pltpu.sync_copy(ones_v, acc_sh.at[dst_v.at[j]], add=True)
        return carry

    lax.fori_loop(0, _NCHUNK, body, 0)
    plsc.subcore_barrier()
    pltpu.sync_copy(acc_sh.at[pl.ds(sid * _RPT, _RPT)],
                    out.at[cid, pl.ds(sid * _RPT, _RPT)])


@functools.partial(
    pl.kernel,
    mesh=_sc_mesh(),
    out_type=jax.ShapeDtypeStruct((_NCORE, _NACC, _D), jnp.float32),
    scratch_types=[
        pltpu.VMEM((_NCHUNK, _CH), jnp.int32),
        pltpu.VMEM((_NCHUNK, _CH), jnp.int32),
        pltpu.VMEM((_CH, _D), jnp.float32),
        pltpu.VMEM_SHARED((_NACC, _D), jnp.float32),
    ],
)
def _sc_aggregate(hp, src3, dst3, zeros_h, out, src_v, dst_v, rows_v, acc_sh):
    cid = lax.axis_index("c")
    sid = lax.axis_index("s")
    w = cid * _NSUB + sid
    pltpu.sync_copy(zeros_h, acc_sh.at[pl.ds(sid * _RPT, _RPT)])
    pltpu.sync_copy(src3.at[w], src_v)
    pltpu.sync_copy(dst3.at[w], dst_v)
    plsc.subcore_barrier()

    def body(j, carry):
        pltpu.sync_copy(hp.at[src_v.at[j]], rows_v)
        pltpu.sync_copy(rows_v, acc_sh.at[dst_v.at[j]], add=True)
        return carry

    lax.fori_loop(0, _NCHUNK, body, 0)
    plsc.subcore_barrier()
    pltpu.sync_copy(acc_sh.at[pl.ds(sid * _RPT, _RPT)],
                    out.at[cid, pl.ds(sid * _RPT, _RPT)])



def _mm0scale(x, W0, dd0, dd1):

    def body(x_ref, w_ref, d0_ref, d1_ref, hp_ref, dinv_ref):
        dinv = lax.rsqrt(1.0 + d0_ref[...] + d1_ref[...])
        dinv_ref[...] = dinv
        hp_ref[...] = jnp.dot(x_ref[...], w_ref[...],
                              preferred_element_type=jnp.float32) * dinv

    return pl.pallas_call(
        body,
        grid=(_GRID,),
        in_specs=[
            pl.BlockSpec((_NB, _D), lambda i: (i, 0)),
            pl.BlockSpec((_D, _D), lambda i: (0, 0)),
            pl.BlockSpec((_NB, 1), lambda i: (i, 0)),
            pl.BlockSpec((_NB, 1), lambda i: (i, 0)),
        ],
        out_specs=[
            pl.BlockSpec((_NB, _D), lambda i: (i, 0)),
            pl.BlockSpec((_NB, 1), lambda i: (i, 0)),
        ],
        out_shape=[
            jax.ShapeDtypeStruct((_N, _D), jnp.float32),
            jax.ShapeDtypeStruct((_N, 1), jnp.float32),
        ],
    )(x, W0, dd0, dd1)


def _combine(hp, a0, a1, dinv, b2d):

    def body(hp_ref, a0_ref, a1_ref, dinv_ref, b_ref, out_ref, s_ref, ss_ref):
        out = (hp_ref[...] + a0_ref[...] + a1_ref[...]) * dinv_ref[...] + b_ref[...]
        out_ref[...] = out

        @pl.when(pl.program_id(0) == 0)
        def _():
            s_ref[...] = jnp.zeros_like(s_ref)
            ss_ref[...] = jnp.zeros_like(ss_ref)

        s_ref[...] += jnp.sum(out, axis=0, keepdims=True)
        ss_ref[...] += jnp.sum(out * out, axis=0, keepdims=True)

    return pl.pallas_call(
        body,
        grid=(_GRID,),
        in_specs=[
            pl.BlockSpec((_NB, _D), lambda i: (i, 0)),
            pl.BlockSpec((_NB, _D), lambda i: (i, 0)),
            pl.BlockSpec((_NB, _D), lambda i: (i, 0)),
            pl.BlockSpec((_NB, 1), lambda i: (i, 0)),
            pl.BlockSpec((1, _D), lambda i: (0, 0)),
        ],
        out_specs=[
            pl.BlockSpec((_NB, _D), lambda i: (i, 0)),
            pl.BlockSpec((1, _D), lambda i: (0, 0)),
            pl.BlockSpec((1, _D), lambda i: (0, 0)),
        ],
        out_shape=[
            jax.ShapeDtypeStruct((_N, _D), jnp.float32),
            jax.ShapeDtypeStruct((1, _D), jnp.float32),
            jax.ShapeDtypeStruct((1, _D), jnp.float32),
        ],
    )(hp, a0, a1, dinv, b2d)


def _bn_relu_block(o, s, ss, g, be):
    m = s * (1.0 / _N)
    v = ss * (1.0 / _N) - m * m
    inv = lax.rsqrt(v + 1e-5)
    return jnp.maximum((o - m) * inv * g + be, 0.0)


def _bnmm(out_prev, s, ss, g2d, be2d, W, dinv):

    def body(o_ref, s_ref, ss_ref, g_ref, be_ref, w_ref, dinv_ref, hp_ref):
        xb = _bn_relu_block(o_ref[...], s_ref[...], ss_ref[...], g_ref[...], be_ref[...])
        hp_ref[...] = jnp.dot(xb, w_ref[...],
                              preferred_element_type=jnp.float32) * dinv_ref[...]

    return pl.pallas_call(
        body,
        grid=(_GRID,),
        in_specs=[
            pl.BlockSpec((_NB, _D), lambda i: (i, 0)),
            pl.BlockSpec((1, _D), lambda i: (0, 0)),
            pl.BlockSpec((1, _D), lambda i: (0, 0)),
            pl.BlockSpec((1, _D), lambda i: (0, 0)),
            pl.BlockSpec((1, _D), lambda i: (0, 0)),
            pl.BlockSpec((_D, _D), lambda i: (0, 0)),
            pl.BlockSpec((_NB, 1), lambda i: (i, 0)),
        ],
        out_specs=pl.BlockSpec((_NB, _D), lambda i: (i, 0)),
        out_shape=jax.ShapeDtypeStruct((_N, _D), jnp.float32),
    )(out_prev, s, ss, g2d, be2d, W, dinv)


def _pool(out2, s, ss, g2d, be2d, batch3):

    def body(o_ref, s_ref, ss_ref, g_ref, be_ref, bt_ref, pooled_ref, cnt_ref):
        xb = _bn_relu_block(o_ref[...], s_ref[...], ss_ref[...], g_ref[...], be_ref[...])
        bt = bt_ref[...].reshape(1, _NB)
        onehot = (lax.broadcasted_iota(jnp.int32, (_B, _NB), 0) == bt
                  ).astype(jnp.float32)

        @pl.when(pl.program_id(0) == 0)
        def _():
            pooled_ref[...] = jnp.zeros_like(pooled_ref)
            cnt_ref[...] = jnp.zeros_like(cnt_ref)

        pooled_ref[...] += jnp.dot(onehot, xb, preferred_element_type=jnp.float32)
        cnt_ref[...] += jnp.sum(onehot, axis=1, keepdims=True)

    return pl.pallas_call(
        body,
        grid=(_GRID,),
        in_specs=[
            pl.BlockSpec((_NB, _D), lambda i: (i, 0)),
            pl.BlockSpec((1, _D), lambda i: (0, 0)),
            pl.BlockSpec((1, _D), lambda i: (0, 0)),
            pl.BlockSpec((1, _D), lambda i: (0, 0)),
            pl.BlockSpec((1, _D), lambda i: (0, 0)),
            pl.BlockSpec((1, 1, _NB), lambda i: (i, 0, 0)),
        ],
        out_specs=[
            pl.BlockSpec((_B, _D), lambda i: (0, 0)),
            pl.BlockSpec((_B, 1), lambda i: (0, 0)),
        ],
        out_shape=[
            jax.ShapeDtypeStruct((_B, _D), jnp.float32),
            jax.ShapeDtypeStruct((_B, 1), jnp.float32),
        ],
    )(out2, s, ss, g2d, be2d, batch3)


def _tail1(pf2d, Wp1, bp1_2d, Wp2, bp2_2d, Wbil_io):

    def body(pf_ref, wp1_ref, b1_ref, wp2_ref, b2_ref, wb_ref, mflat_ref):
        ph = jnp.dot(
            jnp.maximum(jnp.dot(pf_ref[...], wp1_ref[...],
                                preferred_element_type=jnp.float32) + b1_ref[...], 0.0),
            wp2_ref[...], preferred_element_type=jnp.float32) + b2_ref[...]
        mflat_ref[...] = lax.dot_general(
            wb_ref[...], ph, (((1,), (1,)), ((), ())),
            preferred_element_type=jnp.float32)

    return pl.pallas_call(
        body,
        out_shape=jax.ShapeDtypeStruct((_D * 64, 1), jnp.float32),
    )(pf2d, Wp1, bp1_2d, Wp2, bp2_2d, Wbil_io)


def _tail2(pooled, cnt, M, bbil2d, Wc1, bc1_2d, Wc2, bc2_2d):
    def body(p_ref, c_ref, m_ref, bb_ref, wc1_ref, b1_ref, wc2_ref, b2_ref, out_ref):
        lig = p_ref[...] / jnp.maximum(c_ref[...], 1.0)
        inter = jnp.dot(lig, m_ref[...],
                        preferred_element_type=jnp.float32) + bb_ref[...]
        h = jnp.maximum(jnp.dot(inter, wc1_ref[...],
                                preferred_element_type=jnp.float32) + b1_ref[...], 0.0)
        out_ref[...] = jnp.dot(h, wc2_ref[...],
                               preferred_element_type=jnp.float32) + b2_ref[...]

    return pl.pallas_call(
        body,
        out_shape=jax.ShapeDtypeStruct((_B, 1), jnp.float32),
    )(pooled, cnt, M, bbil2d, Wc1, bc1_2d, Wc2, bc2_2d)



def kernel(x, edge_index, batch, pocket_features, W0, b0, g0, be0, W1, b1, g1, be1, W2, b2, g2, be2, Wp1, bp1, Wp2, bp2, Wbil, bbil, Wc1, bc1, Wc2, bc2):
    src, dst = edge_index[0], edge_index[1]

    pad = _NW * _EPW - _E
    srcp = jnp.concatenate([src, jnp.zeros((pad,), jnp.int32)])
    dstp = jnp.concatenate([dst, jnp.full((pad,), _NACC - 1, jnp.int32)])
    src3 = srcp.reshape(_NW, _NCHUNK, _CH)
    dst3 = dstp.reshape(_NW, _NCHUNK, _CH)

    onesD = jnp.ones((_CH, _D), jnp.float32)
    zerosD = jnp.zeros((_RPT, _D), jnp.float32)

    degacc = _sc_degree(dst3, onesD, zerosD)
    dd0 = degacc[0, :_N, 0:1]
    dd1 = degacc[1, :_N, 0:1]

    hp, dinv = _mm0scale(x, W0, dd0, dd1)

    outs_stats = []
    for (b, W_next) in [(b0, W1), (b1, W2), (b2, None)]:
        acc = _sc_aggregate(hp, src3, dst3, zerosD)
        out, s, ss = _combine(hp, acc[0, :_N], acc[1, :_N], dinv, b.reshape(1, _D))
        outs_stats.append((out, s, ss))
        if W_next is not None:
            g, be = (g0, be0) if W_next is W1 else (g1, be1)
            hp = _bnmm(out, s, ss, g.reshape(1, _D), be.reshape(1, _D), W_next, dinv)

    out2, s2, ss2 = outs_stats[-1]
    batch3 = batch.reshape(_GRID, 1, _NB)
    pooled, counts = _pool(out2, s2, ss2, g2.reshape(1, _D), be2.reshape(1, _D), batch3)

    Wbil_io = Wbil.transpose(1, 0, 2).reshape(_D * 64, 64)
    mflat = _tail1(pocket_features.reshape(1, -1), Wp1, bp1.reshape(1, -1),
                   Wp2, bp2.reshape(1, -1), Wbil_io)
    M = mflat.reshape(_D, 64)
    out = _tail2(pooled, counts, M, bbil.reshape(1, -1),
                 Wc1, bc1.reshape(1, -1), Wc2, bc2.reshape(1, -1))
    return out.reshape(_B)

# --- scband reference (transcript-rebuilt; emitter-appended) ---
"""Pipeline reference for scband-bilinear-model-75118978007257 (READ-ONLY COPY).

The authoritative reference and input builder live on the scoring server;
editing this copy changes nothing except your own understanding.
"""

import jax, jax.numpy as jnp
import numpy as np

N = 10000
E = 320000
D = 128
H = 128
B = 256
P = 28


def setup_inputs(seed: int = 0) -> dict:
    key = jax.random.key(seed)
    ks = jax.random.split(key, 30)
    inp = {}
    inp["x"] = jax.random.normal(ks[0], (N, D), jnp.float32)
    inp["edge_index"] = jax.random.randint(ks[1], (2, E), 0, N)
    inp["batch"] = jnp.sort(jax.random.randint(ks[2], (N,), 0, B))
    inp["pocket_features"] = jax.random.normal(ks[3], (P,), jnp.float32)
    # GCN layer params (W: [in, out], b: [out]) + BN gamma/beta
    dims = [(D, H), (H, H), (H, H)]
    for i, (din, dout) in enumerate(dims):
        inp[f"W{i}"] = jax.random.normal(ks[4 + i], (din, dout), jnp.float32) * (1.0 / np.sqrt(din))
        inp[f"b{i}"] = jnp.zeros((dout,), jnp.float32)
        inp[f"g{i}"] = jnp.ones((dout,), jnp.float32)
        inp[f"be{i}"] = jnp.zeros((dout,), jnp.float32)
    # pocket MLP: P->64->64
    inp["Wp1"] = jax.random.normal(ks[10], (P, 64), jnp.float32) * (1.0 / np.sqrt(P))
    inp["bp1"] = jnp.zeros((64,), jnp.float32)
    inp["Wp2"] = jax.random.normal(ks[11], (64, 64), jnp.float32) * (1.0 / 8.0)
    inp["bp2"] = jnp.zeros((64,), jnp.float32)
    # bilinear: out[b,o] = x1[b,i] Wbil[o,i,j] x2[b,j] + bbil[o]
    inp["Wbil"] = jax.random.normal(ks[12], (64, H, 64), jnp.float32) * (1.0 / np.sqrt(H * 64))
    inp["bbil"] = jnp.zeros((64,), jnp.float32)
    # classifier 64->32->1
    inp["Wc1"] = jax.random.normal(ks[13], (64, 32), jnp.float32) * (1.0 / 8.0)
    inp["bc1"] = jnp.zeros((32,), jnp.float32)
    inp["Wc2"] = jax.random.normal(ks[14], (32, 1), jnp.float32) * (1.0 / np.sqrt(32.0))
    inp["bc2"] = jnp.zeros((1,), jnp.float32)
    return inp


def _gcn_conv(x, src, dst, W, b, n):
    h = x @ W
    loop = jnp.arange(n)
    src_sl = jnp.concatenate([src, loop])
    dst_sl = jnp.concatenate([dst, loop])
    deg = jax.ops.segment_sum(jnp.ones_like(src_sl, dtype=h.dtype), dst_sl, num_segments=n)
    dinv = jnp.where(deg > 0, 1.0 / jnp.sqrt(deg), 0.0)
    norm = dinv[src_sl] * dinv[dst_sl]
    msg = h[src_sl] * norm[:, None]
    out = jax.ops.segment_sum(msg, dst_sl, num_segments=n)
    return out + b


def _bn(h, gamma, beta, eps=1e-5):
    m = h.mean(axis=0)
    v = h.var(axis=0)
    return (h - m) / jnp.sqrt(v + eps) * gamma + beta


def reference(x, edge_index, batch, pocket_features,
              W0, b0, g0, be0, W1, b1, g1, be1, W2, b2, g2, be2,
              Wp1, bp1, Wp2, bp2, Wbil, bbil, Wc1, bc1, Wc2, bc2):
    src, dst = edge_index[0], edge_index[1]
    n = x.shape[0]
    for (W, b, g, be) in [(W0, b0, g0, be0), (W1, b1, g1, be1), (W2, b2, g2, be2)]:
        x = _gcn_conv(x, src, dst, W, b, n)
        x = jax.nn.relu(_bn(x, g, be))
        # dropout is identity in eval mode
    counts = jax.ops.segment_sum(jnp.ones((n,), x.dtype), batch, num_segments=B)
    ligand_emb = jax.ops.segment_sum(x, batch, num_segments=B) / jnp.maximum(counts, 1.0)[:, None]
    pocket_h = jax.nn.relu(pocket_features @ Wp1 + bp1) @ Wp2 + bp2
    pocket_emb = jnp.broadcast_to(pocket_h[None, :], (B, 64))
    interaction_emb = jnp.einsum("bi,oij,bj->bo", ligand_emb, Wbil, pocket_emb) + bbil
    h = jax.nn.relu(interaction_emb @ Wc1 + bc1)
    logits = (h @ Wc2 + bc2).squeeze(-1)
    return logits

if __name__ == "__main__":
    import jax
    _d = setup_inputs()
    print(jax.jit(kernel)(*tuple(_d.values())))

</pallas_src>

<mosaic_0001>
#map = affine_map<(d0, d1) -> (0, 0, 0)>
#map1 = affine_map<(d0, d1) -> (0, 0)>
module attributes {stable_mosaic.version = 14 : i64} {
  func.func @_sc_degree(%arg0: i32, %arg1: i32, %arg2: memref<32x79x128xi32, #tpu.memory_space<hbm>>, %arg3: memref<128x128xf32, #tpu.memory_space<hbm>>, %arg4: memref<632x128xf32, #tpu.memory_space<hbm>>, %arg5: memref<2x10112x128xf32, #tpu.memory_space<hbm>>, %arg6: memref<79x128xi32, #tpu.memory_space<vmem>>, %arg7: memref<128x128xf32, #tpu.memory_space<vmem>>, %arg8: memref<10112x128xf32, #tpu.memory_space<vmem_shared>>) attributes {dimension_semantics = [#tpu.dimension_semantics<core_parallel>, #tpu.dimension_semantics<subcore_parallel>], iteration_bounds = array<i64: 2, 16>, scalar_prefetch = 0 : i64, scratch_operands = 3 : i64, tpu.core_type = #tpu.core_type<sc_vector_subcore>, window_params = [{transform_indices = #map}, {transform_indices = #map1}, {transform_indices = #map1}, {transform_indices = #map}]} {
    %mul3A = arith.constant 16 : i32
    %mul3A_0 = arith.muli %arg0, %mul3A : i32
    %add3A = arith.addi %mul3A_0, %arg1 : i32
    %mul3A_1 = arith.constant 632 : i32
    %mul3A_2 = arith.muli %arg1, %mul3A_1 : i32
    "tpu.region"() ({
      %run_scoped3A = tpu.sem_alloc : memref<!tpu.dma_semaphore, #tpu.memory_space<semaphore_mem>>
      %dma_start3A = arith.constant 0 : i32
      %dma_start3A_13 = tpu.memref_slice %arg8[%mul3A_2, %dma_start3A] : memref<10112x128xf32, #tpu.memory_space<vmem_shared>> -> memref<632x128xf32, #tpu.memory_space<vmem_shared>>
      tpu.enqueue_dma source(%arg4 : memref<632x128xf32, #tpu.memory_space<hbm>>) target(%dma_start3A_13 : memref<632x128xf32, #tpu.memory_space<vmem_shared>>) target_semaphore(%run_scoped3A : memref<!tpu.dma_semaphore, #tpu.memory_space<semaphore_mem>>)
      %dma_wait3A = arith.constant 0 : i32
      %dma_wait3A_14 = tpu.memref_slice %arg8[%mul3A_2, %dma_wait3A] : memref<10112x128xf32, #tpu.memory_space<vmem_shared>> -> memref<632x128xf32, #tpu.memory_space<vmem_shared>>
      tpu.wait_dma2 semaphore(%run_scoped3A : memref<!tpu.dma_semaphore, #tpu.memory_space<semaphore_mem>>) src(%arg4 : memref<632x128xf32, #tpu.memory_space<hbm>>) dst(%dma_wait3A_14 : memref<632x128xf32, #tpu.memory_space<vmem_shared>>)
      tpu.yield
    }) : () -> ()
    "tpu.region"() ({
      %run_scoped3A = tpu.sem_alloc : memref<!tpu.dma_semaphore, #tpu.memory_space<semaphore_mem>>
      tpu.enqueue_dma source(%arg3 : memref<128x128xf32, #tpu.memory_space<hbm>>) target(%arg7 : memref<128x128xf32, #tpu.memory_space<vmem>>) target_semaphore(%run_scoped3A : memref<!tpu.dma_semaphore, #tpu.memory_space<semaphore_mem>>)
      tpu.wait_dma2 semaphore(%run_scoped3A : memref<!tpu.dma_semaphore, #tpu.memory_space<semaphore_mem>>) src(%arg3 : memref<128x128xf32, #tpu.memory_space<hbm>>) dst(%arg7 : memref<128x128xf32, #tpu.memory_space<vmem>>)
      tpu.yield
    }) : () -> ()
    "tpu.region"() ({
      %run_scoped3A = tpu.sem_alloc : memref<!tpu.dma_semaphore, #tpu.memory_space<semaphore_mem>>
      %dma_start3A = arith.constant 0 : i32
      %dma_start3A_13 = arith.constant 0 : i32
      %dma_start3A_14 = tpu.memref_slice %arg2[%add3A, %dma_start3A, %dma_start3A_13] : memref<32x79x128xi32, #tpu.memory_space<hbm>> -> memref<1x79x128xi32, #tpu.memory_space<hbm>>
      %dma_start3A_15 = tpu.memref_squeeze %dma_start3A_14 : memref<1x79x128xi32, #tpu.memory_space<hbm>> -> memref<79x128xi32, #tpu.memory_space<hbm>>
      %dma_start3A_16 = arith.constant 0 : i32
      %dma_start3A_17 = arith.constant 0 : i32
      %dma_start3A_18 = tpu.memref_slice %arg2[%add3A, %dma_start3A_16, %dma_start3A_17] : memref<32x79x128xi32, #tpu.memory_space<hbm>> -> memref<1x79x128xi32, #tpu.memory_space<hbm>>
      %dma_start3A_19 = tpu.memref_squeeze %dma_start3A_18 : memref<1x79x128xi32, #tpu.memory_space<hbm>> -> memref<79x128xi32, #tpu.memory_space<hbm>>
      tpu.enqueue_dma source(%dma_start3A_19 : memref<79x128xi32, #tpu.memory_space<hbm>>) target(%arg6 : memref<79x128xi32, #tpu.memory_space<vmem>>) target_semaphore(%run_scoped3A : memref<!tpu.dma_semaphore, #tpu.memory_space<semaphore_mem>>)
      %dma_wait3A = arith.constant 0 : i32
      %dma_wait3A_20 = arith.constant 0 : i32
      %dma_wait3A_21 = tpu.memref_slice %arg2[%add3A, %dma_wait3A, %dma_wait3A_20] : memref<32x79x128xi32, #tpu.memory_space<hbm>> -> memref<1x79x128xi32, #tpu.memory_space<hbm>>
      %dma_wait3A_22 = tpu.memref_squeeze %dma_wait3A_21 : memref<1x79x128xi32, #tpu.memory_space<hbm>> -> memref<79x128xi32, #tpu.memory_space<hbm>>
      %dma_wait3A_23 = arith.constant 0 : i32
      %dma_wait3A_24 = arith.constant 0 : i32
      %dma_wait3A_25 = tpu.memref_slice %arg2[%add3A, %dma_wait3A_23, %dma_wait3A_24] : memref<32x79x128xi32, #tpu.memory_space<hbm>> -> memref<1x79x128xi32, #tpu.memory_space<hbm>>
      %dma_wait3A_26 = tpu.memref_squeeze %dma_wait3A_25 : memref<1x79x128xi32, #tpu.memory_space<hbm>> -> memref<79x128xi32, #tpu.memory_space<hbm>>
      tpu.wait_dma2 semaphore(%run_scoped3A : memref<!tpu.dma_semaphore, #tpu.memory_space<semaphore_mem>>) src(%dma_wait3A_26 : memref<79x128xi32, #tpu.memory_space<hbm>>) dst(%arg6 : memref<79x128xi32, #tpu.memory_space<vmem>>)
      tpu.yield
    }) : () -> ()
    %barrier3A = arith.constant 0 : index
    tpu.barrier barrier_id(%barrier3A)
    %scan3A = arith.constant 0 : i32
    %scan3A_3 = arith.constant 0 : i32
    %scan3A_4 = arith.constant 79 : i32
    %scan3A_5 = arith.addi %scan3A_3, %scan3A_4 : i32
    %scan3A_6 = arith.constant 1 : i32
    scf.for %scan3A_13 = %scan3A_3 to %scan3A_5 step %scan3A_6  : i32 {
      "tpu.region"() ({
        %run_scoped3A = tpu.sem_alloc : memref<!tpu.dma_semaphore, #tpu.memory_space<semaphore_mem>>
        %dma_start3A = arith.constant 0 : i32
        %dma_start3A_14 = tpu.memref_slice %arg6[%scan3A_13, %dma_start3A] : memref<79x128xi32, #tpu.memory_space<vmem>> -> memref<1x128xi32, #tpu.memory_space<vmem>>
        %dma_start3A_15 = tpu.memref_squeeze %dma_start3A_14 : memref<1x128xi32, #tpu.memory_space<vmem>> -> memref<128xi32, #tpu.memory_space<vmem>>
        %dma_start3A_16 = arith.constant 0 : i32
        %dma_start3A_17 = arith.constant 0 : i32
        %dma_start3A_18 = tpu.memref_slice %arg8[%dma_start3A_16, %dma_start3A_17] : memref<10112x128xf32, #tpu.memory_space<vmem_shared>> -> memref<10112x128xf32, #tpu.memory_space<vmem_shared>>
        tpu.enqueue_indirect_dma source(%arg7 : memref<128x128xf32, #tpu.memory_space<vmem>>) target(%dma_start3A_18 : memref<10112x128xf32, #tpu.memory_space<vmem_shared>>) offsets(%dma_start3A_15 : memref<128xi32, #tpu.memory_space<vmem>>) semaphore(%run_scoped3A : memref<!tpu.dma_semaphore, #tpu.memory_space<semaphore_mem>>) {add = true}
        %dma_wait3A = arith.constant 0 : i32
        %dma_wait3A_19 = tpu.memref_slice %arg6[%scan3A_13, %dma_wait3A] : memref<79x128xi32, #tpu.memory_space<vmem>> -> memref<1x128xi32, #tpu.memory_space<vmem>>
        %dma_wait3A_20 = tpu.memref_squeeze %dma_wait3A_19 : memref<1x128xi32, #tpu.memory_space<vmem>> -> memref<128xi32, #tpu.memory_space<vmem>>
        %dma_wait3A_21 = arith.constant 0 : i32
        %dma_wait3A_22 = arith.constant 0 : i32
        %dma_wait3A_23 = tpu.memref_slice %arg8[%dma_wait3A_21, %dma_wait3A_22] : memref<10112x128xf32, #tpu.memory_space<vmem_shared>> -> memref<10112x128xf32, #tpu.memory_space<vmem_shared>>
        tpu.wait_indirect_dma semaphore(%run_scoped3A : memref<!tpu.dma_semaphore, #tpu.memory_space<semaphore_mem>>) src(%arg7 : memref<128x128xf32, #tpu.memory_space<vmem>>) dst(%dma_wait3A_23 : memref<10112x128xf32, #tpu.memory_space<vmem_shared>>)
        tpu.yield
      }) : () -> ()
    }
    %scan3A_7 = arith.constant 79 : i32
    %barrier3A_8 = arith.constant 0 : index
    tpu.barrier barrier_id(%barrier3A_8)
    %mul3A_9 = arith.constant 632 : i32
    %mul3A_10 = arith.muli %arg1, %mul3A_9 : i32
    %mul3A_11 = arith.constant 632 : i32
    %mul3A_12 = arith.muli %arg1, %mul3A_11 : i32
    "tpu.region"() ({
      %run_scoped3A = tpu.sem_alloc : memref<!tpu.dma_semaphore, #tpu.memory_space<semaphore_mem>>
      %dma_start3A = arith.constant 0 : i32
      %dma_start3A_13 = tpu.memref_slice %arg5[%arg0, %mul3A_12, %dma_start3A] : memref<2x10112x128xf32, #tpu.memory_space<hbm>> -> memref<1x632x128xf32, #tpu.memory_space<hbm>>
      %dma_start3A_14 = tpu.memref_squeeze %dma_start3A_13 : memref<1x632x128xf32, #tpu.memory_space<hbm>> -> memref<632x128xf32, #tpu.memory_space<hbm>>
      %dma_start3A_15 = arith.constant 0 : i32
      %dma_start3A_16 = tpu.memref_slice %arg8[%mul3A_10, %dma_start3A_15] : memref<10112x128xf32, #tpu.memory_space<vmem_shared>> -> memref<632x128xf32, #tpu.memory_space<vmem_shared>>
      tpu.enqueue_dma source(%dma_start3A_16 : memref<632x128xf32, #tpu.memory_space<vmem_shared>>) target(%dma_start3A_14 : memref<632x128xf32, #tpu.memory_space<hbm>>) target_semaphore(%run_scoped3A : memref<!tpu.dma_semaphore, #tpu.memory_space<semaphore_mem>>)
      %dma_wait3A = arith.constant 0 : i32
      %dma_wait3A_17 = tpu.memref_slice %arg5[%arg0, %mul3A_12, %dma_wait3A] : memref<2x10112x128xf32, #tpu.memory_space<hbm>> -> memref<1x632x128xf32, #tpu.memory_space<hbm>>
      %dma_wait3A_18 = tpu.memref_squeeze %dma_wait3A_17 : memref<1x632x128xf32, #tpu.memory_space<hbm>> -> memref<632x128xf32, #tpu.memory_space<hbm>>
      %dma_wait3A_19 = arith.constant 0 : i32
      %dma_wait3A_20 = tpu.memref_slice %arg8[%mul3A_10, %dma_wait3A_19] : memref<10112x128xf32, #tpu.memory_space<vmem_shared>> -> memref<632x128xf32, #tpu.memory_space<vmem_shared>>
      tpu.wait_dma2 semaphore(%run_scoped3A : memref<!tpu.dma_semaphore, #tpu.memory_space<semaphore_mem>>) src(%dma_wait3A_20 : memref<632x128xf32, #tpu.memory_space<vmem_shared>>) dst(%dma_wait3A_18 : memref<632x128xf32, #tpu.memory_space<hbm>>)
      tpu.yield
    }) : () -> ()
    return
  }
}

#map = affine_map<(d0, d1) -> (0, 0)>
#map1 = affine_map<(d0, d1) -> (0, 0, 0)>
module attributes {stable_mosaic.version = 14 : i64} {
  func.func @_sc_aggregate(%arg0: i32, %arg1: i32, %arg2: memref<10000x128xf32, #tpu.memory_space<hbm>>, %arg3: memref<32x79x128xi32, #tpu.memory_space<hbm>>, %arg4: memref<32x79x128xi32, #tpu.memory_space<hbm>>, %arg5: memref<632x128xf32, #tpu.memory_space<hbm>>, %arg6: memref<2x10112x128xf32, #tpu.memory_space<hbm>>, %arg7: memref<79x128xi32, #tpu.memory_space<vmem>>, %arg8: memref<79x128xi32, #tpu.memory_space<vmem>>, %arg9: memref<128x128xf32, #tpu.memory_space<vmem>>, %arg10: memref<10112x128xf32, #tpu.memory_space<vmem_shared>>) attributes {dimension_semantics = [#tpu.dimension_semantics<core_parallel>, #tpu.dimension_semantics<subcore_parallel>], iteration_bounds = array<i64: 2, 16>, scalar_prefetch = 0 : i64, scratch_operands = 4 : i64, tpu.core_type = #tpu.core_type<sc_vector_subcore>, window_params = [{transform_indices = #map}, {transform_indices = #map1}, {transform_indices = #map1}, {transform_indices = #map}, {transform_indices = #map1}]} {
    %mul3A = arith.constant 16 : i32
    %mul3A_0 = arith.muli %arg0, %mul3A : i32
    %add3A = arith.addi %mul3A_0, %arg1 : i32
    %mul3A_1 = arith.constant 632 : i32
    %mul3A_2 = arith.muli %arg1, %mul3A_1 : i32
    "tpu.region"() ({
      %run_scoped3A = tpu.sem_alloc : memref<!tpu.dma_semaphore, #tpu.memory_space<semaphore_mem>>
      %dma_start3A = arith.constant 0 : i32
      %dma_start3A_13 = tpu.memref_slice %arg10[%mul3A_2, %dma_start3A] : memref<10112x128xf32, #tpu.memory_space<vmem_shared>> -> memref<632x128xf32, #tpu.memory_space<vmem_shared>>
      tpu.enqueue_dma source(%arg5 : memref<632x128xf32, #tpu.memory_space<hbm>>) target(%dma_start3A_13 : memref<632x128xf32, #tpu.memory_space<vmem_shared>>) target_semaphore(%run_scoped3A : memref<!tpu.dma_semaphore, #tpu.memory_space<semaphore_mem>>)
      %dma_wait3A = arith.constant 0 : i32
      %dma_wait3A_14 = tpu.memref_slice %arg10[%mul3A_2, %dma_wait3A] : memref<10112x128xf32, #tpu.memory_space<vmem_shared>> -> memref<632x128xf32, #tpu.memory_space<vmem_shared>>
      tpu.wait_dma2 semaphore(%run_scoped3A : memref<!tpu.dma_semaphore, #tpu.memory_space<semaphore_mem>>) src(%arg5 : memref<632x128xf32, #tpu.memory_space<hbm>>) dst(%dma_wait3A_14 : memref<632x128xf32, #tpu.memory_space<vmem_shared>>)
      tpu.yield
    }) : () -> ()
    "tpu.region"() ({
      %run_scoped3A = tpu.sem_alloc : memref<!tpu.dma_semaphore, #tpu.memory_space<semaphore_mem>>
      %dma_start3A = arith.constant 0 : i32
      %dma_start3A_13 = arith.constant 0 : i32
      %dma_start3A_14 = tpu.memref_slice %arg3[%add3A, %dma_start3A, %dma_start3A_13] : memref<32x79x128xi32, #tpu.memory_space<hbm>> -> memref<1x79x128xi32, #tpu.memory_space<hbm>>
      %dma_start3A_15 = tpu.memref_squeeze %dma_start3A_14 : memref<1x79x128xi32, #tpu.memory_space<hbm>> -> memref<79x128xi32, #tpu.memory_space<hbm>>
      %dma_start3A_16 = arith.constant 0 : i32
      %dma_start3A_17 = arith.constant 0 : i32
      %dma_start3A_18 = tpu.memref_slice %arg3[%add3A, %dma_start3A_16, %dma_start3A_17] : memref<32x79x128xi32, #tpu.memory_space<hbm>> -> memref<1x79x128xi32, #tpu.memory_space<hbm>>
      %dma_start3A_19 = tpu.memref_squeeze %dma_start3A_18 : memref<1x79x128xi32, #tpu.memory_space<hbm>> -> memref<79x128xi32, #tpu.memory_space<hbm>>
      tpu.enqueue_dma source(%dma_start3A_19 : memref<79x128xi32, #tpu.memory_space<hbm>>) target(%arg7 : memref<79x128xi32, #tpu.memory_space<vmem>>) target_semaphore(%run_scoped3A : memref<!tpu.dma_semaphore, #tpu.memory_space<semaphore_mem>>)
      %dma_wait3A = arith.constant 0 : i32
      %dma_wait3A_20 = arith.constant 0 : i32
      %dma_wait3A_21 = tpu.memref_slice %arg3[%add3A, %dma_wait3A, %dma_wait3A_20] : memref<32x79x128xi32, #tpu.memory_space<hbm>> -> memref<1x79x128xi32, #tpu.memory_space<hbm>>
      %dma_wait3A_22 = tpu.memref_squeeze %dma_wait3A_21 : memref<1x79x128xi32, #tpu.memory_space<hbm>> -> memref<79x128xi32, #tpu.memory_space<hbm>>
      %dma_wait3A_23 = arith.constant 0 : i32
      %dma_wait3A_24 = arith.constant 0 : i32
      %dma_wait3A_25 = tpu.memref_slice %arg3[%add3A, %dma_wait3A_23, %dma_wait3A_24] : memref<32x79x128xi32, #tpu.memory_space<hbm>> -> memref<1x79x128xi32, #tpu.memory_space<hbm>>
      %dma_wait3A_26 = tpu.memref_squeeze %dma_wait3A_25 : memref<1x79x128xi32, #tpu.memory_space<hbm>> -> memref<79x128xi32, #tpu.memory_space<hbm>>
      tpu.wait_dma2 semaphore(%run_scoped3A : memref<!tpu.dma_semaphore, #tpu.memory_space<semaphore_mem>>) src(%dma_wait3A_26 : memref<79x128xi32, #tpu.memory_space<hbm>>) dst(%arg7 : memref<79x128xi32, #tpu.memory_space<vmem>>)
      tpu.yield
    }) : () -> ()
    "tpu.region"() ({
      %run_scoped3A = tpu.sem_alloc : memref<!tpu.dma_semaphore, #tpu.memory_space<semaphore_mem>>
      %dma_start3A = arith.constant 0 : i32
      %dma_start3A_13 = arith.constant 0 : i32
      %dma_start3A_14 = tpu.memref_slice %arg4[%add3A, %dma_start3A, %dma_start3A_13] : memref<32x79x128xi32, #tpu.memory_space<hbm>> -> memref<1x79x128xi32, #tpu.memory_space<hbm>>
      %dma_start3A_15 = tpu.memref_squeeze %dma_start3A_14 : memref<1x79x128xi32, #tpu.memory_space<hbm>> -> memref<79x128xi32, #tpu.memory_space<hbm>>
      %dma_start3A_16 = arith.constant 0 : i32
      %dma_start3A_17 = arith.constant 0 : i32
      %dma_start3A_18 = tpu.memref_slice %arg4[%add3A, %dma_start3A_16, %dma_start3A_17] : memref<32x79x128xi32, #tpu.memory_space<hbm>> -> memref<1x79x128xi32, #tpu.memory_space<hbm>>
      %dma_start3A_19 = tpu.memref_squeeze %dma_start3A_18 : memref<1x79x128xi32, #tpu.memory_space<hbm>> -> memref<79x128xi32, #tpu.memory_space<hbm>>
      tpu.enqueue_dma source(%dma_start3A_19 : memref<79x128xi32, #tpu.memory_space<hbm>>) target(%arg8 : memref<79x128xi32, #tpu.memory_space<vmem>>) target_semaphore(%run_scoped3A : memref<!tpu.dma_semaphore, #tpu.memory_space<semaphore_mem>>)
      %dma_wait3A = arith.constant 0 : i32
      %dma_wait3A_20 = arith.constant 0 : i32
      %dma_wait3A_21 = tpu.memref_slice %arg4[%add3A, %dma_wait3A, %dma_wait3A_20] : memref<32x79x128xi32, #tpu.memory_space<hbm>> -> memref<1x79x128xi32, #tpu.memory_space<hbm>>
      %dma_wait3A_22 = tpu.memref_squeeze %dma_wait3A_21 : memref<1x79x128xi32, #tpu.memory_space<hbm>> -> memref<79x128xi32, #tpu.memory_space<hbm>>
      %dma_wait3A_23 = arith.constant 0 : i32
      %dma_wait3A_24 = arith.constant 0 : i32
      %dma_wait3A_25 = tpu.memref_slice %arg4[%add3A, %dma_wait3A_23, %dma_wait3A_24] : memref<32x79x128xi32, #tpu.memory_space<hbm>> -> memref<1x79x128xi32, #tpu.memory_space<hbm>>
      %dma_wait3A_26 = tpu.memref_squeeze %dma_wait3A_25 : memref<1x79x128xi32, #tpu.memory_space<hbm>> -> memref<79x128xi32, #tpu.memory_space<hbm>>
      tpu.wait_dma2 semaphore(%run_scoped3A : memref<!tpu.dma_semaphore, #tpu.memory_space<semaphore_mem>>) src(%dma_wait3A_26 : memref<79x128xi32, #tpu.memory_space<hbm>>) dst(%arg8 : memref<79x128xi32, #tpu.memory_space<vmem>>)
      tpu.yield
    }) : () -> ()
    %barrier3A = arith.constant 0 : index
    tpu.barrier barrier_id(%barrier3A)
    %scan3A = arith.constant 0 : i32
    %scan3A_3 = arith.constant 0 : i32
    %scan3A_4 = arith.constant 79 : i32
    %scan3A_5 = arith.addi %scan3A_3, %scan3A_4 : i32
    %scan3A_6 = arith.constant 1 : i32
    scf.for %scan3A_13 = %scan3A_3 to %scan3A_5 step %scan3A_6  : i32 {
      "tpu.region"() ({
        %run_scoped3A = tpu.sem_alloc : memref<!tpu.dma_semaphore, #tpu.memory_space<semaphore_mem>>
        %dma_start3A = arith.constant 0 : i32
        %dma_start3A_14 = tpu.memref_slice %arg7[%scan3A_13, %dma_start3A] : memref<79x128xi32, #tpu.memory_space<vmem>> -> memref<1x128xi32, #tpu.memory_space<vmem>>
        %dma_start3A_15 = tpu.memref_squeeze %dma_start3A_14 : memref<1x128xi32, #tpu.memory_space<vmem>> -> memref<128xi32, #tpu.memory_space<vmem>>
        %dma_start3A_16 = arith.constant 0 : i32
        %dma_start3A_17 = arith.constant 0 : i32
        %dma_start3A_18 = tpu.memref_slice %arg2[%dma_start3A_16, %dma_start3A_17] : memref<10000x128xf32, #tpu.memory_space<hbm>> -> memref<10000x128xf32, #tpu.memory_space<hbm>>
        tpu.enqueue_indirect_dma source(%dma_start3A_18 : memref<10000x128xf32, #tpu.memory_space<hbm>>) target(%arg9 : memref<128x128xf32, #tpu.memory_space<vmem>>) offsets(%dma_start3A_15 : memref<128xi32, #tpu.memory_space<vmem>>) semaphore(%run_scoped3A : memref<!tpu.dma_semaphore, #tpu.memory_space<semaphore_mem>>)
        %dma_wait3A = arith.constant 0 : i32
        %dma_wait3A_19 = tpu.memref_slice %arg7[%scan3A_13, %dma_wait3A] : memref<79x128xi32, #tpu.memory_space<vmem>> -> memref<1x128xi32, #tpu.memory_space<vmem>>
        %dma_wait3A_20 = tpu.memref_squeeze %dma_wait3A_19 : memref<1x128xi32, #tpu.memory_space<vmem>> -> memref<128xi32, #tpu.memory_space<vmem>>
        %dma_wait3A_21 = arith.constant 0 : i32
        %dma_wait3A_22 = arith.constant 0 : i32
        %dma_wait3A_23 = tpu.memref_slice %arg2[%dma_wait3A_21, %dma_wait3A_22] : memref<10000x128xf32, #tpu.memory_space<hbm>> -> memref<10000x128xf32, #tpu.memory_space<hbm>>
        tpu.wait_indirect_dma semaphore(%run_scoped3A : memref<!tpu.dma_semaphore, #tpu.memory_space<semaphore_mem>>) src(%dma_wait3A_23 : memref<10000x128xf32, #tpu.memory_space<hbm>>) dst(%arg9 : memref<128x128xf32, #tpu.memory_space<vmem>>)
        tpu.yield
      }) : () -> ()
      "tpu.region"() ({
        %run_scoped3A = tpu.sem_alloc : memref<!tpu.dma_semaphore, #tpu.memory_space<semaphore_mem>>
        %dma_start3A = arith.constant 0 : i32
        %dma_start3A_14 = tpu.memref_slice %arg8[%scan3A_13, %dma_start3A] : memref<79x128xi32, #tpu.memory_space<vmem>> -> memref<1x128xi32, #tpu.memory_space<vmem>>
        %dma_start3A_15 = tpu.memref_squeeze %dma_start3A_14 : memref<1x128xi32, #tpu.memory_space<vmem>> -> memref<128xi32, #tpu.memory_space<vmem>>
        %dma_start3A_16 = arith.constant 0 : i32
        %dma_start3A_17 = arith.constant 0 : i32
        %dma_start3A_18 = tpu.memref_slice %arg10[%dma_start3A_16, %dma_start3A_17] : memref<10112x128xf32, #tpu.memory_space<vmem_shared>> -> memref<10112x128xf32, #tpu.memory_space<vmem_shared>>
        tpu.enqueue_indirect_dma source(%arg9 : memref<128x128xf32, #tpu.memory_space<vmem>>) target(%dma_start3A_18 : memref<10112x128xf32, #tpu.memory_space<vmem_shared>>) offsets(%dma_start3A_15 : memref<128xi32, #tpu.memory_space<vmem>>) semaphore(%run_scoped3A : memref<!tpu.dma_semaphore, #tpu.memory_space<semaphore_mem>>) {add = true}
        %dma_wait3A = arith.constant 0 : i32
        %dma_wait3A_19 = tpu.memref_slice %arg8[%scan3A_13, %dma_wait3A] : memref<79x128xi32, #tpu.memory_space<vmem>> -> memref<1x128xi32, #tpu.memory_space<vmem>>
        %dma_wait3A_20 = tpu.memref_squeeze %dma_wait3A_19 : memref<1x128xi32, #tpu.memory_space<vmem>> -> memref<128xi32, #tpu.memory_space<vmem>>
        %dma_wait3A_21 = arith.constant 0 : i32
        %dma_wait3A_22 = arith.constant 0 : i32
        %dma_wait3A_23 = tpu.memref_slice %arg10[%dma_wait3A_21, %dma_wait3A_22] : memref<10112x128xf32, #tpu.memory_space<vmem_shared>> -> memref<10112x128xf32, #tpu.memory_space<vmem_shared>>
        tpu.wait_indirect_dma semaphore(%run_scoped3A : memref<!tpu.dma_semaphore, #tpu.memory_space<semaphore_mem>>) src(%arg9 : memref<128x128xf32, #tpu.memory_space<vmem>>) dst(%dma_wait3A_23 : memref<10112x128xf32, #tpu.memory_space<vmem_shared>>)
        tpu.yield
      }) : () -> ()
    }
    %scan3A_7 = arith.constant 79 : i32
    %barrier3A_8 = arith.constant 0 : index
    tpu.barrier barrier_id(%barrier3A_8)
    %mul3A_9 = arith.constant 632 : i32
    %mul3A_10 = arith.muli %arg1, %mul3A_9 : i32
    %mul3A_11 = arith.constant 632 : i32
    %mul3A_12 = arith.muli %arg1, %mul3A_11 : i32
    "tpu.region"() ({
      %run_scoped3A = tpu.sem_alloc : memref<!tpu.dma_semaphore, #tpu.memory_space<semaphore_mem>>
      %dma_start3A = arith.constant 0 : i32
      %dma_start3A_13 = tpu.memref_slice %arg6[%arg0, %mul3A_12, %dma_start3A] : memref<2x10112x128xf32, #tpu.memory_space<hbm>> -> memref<1x632x128xf32, #tpu.memory_space<hbm>>
      %dma_start3A_14 = tpu.memref_squeeze %dma_start3A_13 : memref<1x632x128xf32, #tpu.memory_space<hbm>> -> memref<632x128xf32, #tpu.memory_space<hbm>>
      %dma_start3A_15 = arith.constant 0 : i32
      %dma_start3A_16 = tpu.memref_slice %arg10[%mul3A_10, %dma_start3A_15] : memref<10112x128xf32, #tpu.memory_space<vmem_shared>> -> memref<632x128xf32, #tpu.memory_space<vmem_shared>>
      tpu.enqueue_dma source(%dma_start3A_16 : memref<632x128xf32, #tpu.memory_space<vmem_shared>>) target(%dma_start3A_14 : memref<632x128xf32, #tpu.memory_space<hbm>>) target_semaphore(%run_scoped3A : memref<!tpu.dma_semaphore, #tpu.memory_space<semaphore_mem>>)
      %dma_wait3A = arith.constant 0 : i32
      %dma_wait3A_17 = tpu.memref_slice %arg6[%arg0, %mul3A_12, %dma_wait3A] : memref<2x10112x128xf32, #tpu.memory_space<hbm>> -> memref<1x632x128xf32, #tpu.memory_space<hbm>>
      %dma_wait3A_18 = tpu.memref_squeeze %dma_wait3A_17 : memref<1x632x128xf32, #tpu.memory_space<hbm>> -> memref<632x128xf32, #tpu.memory_space<hbm>>
      %dma_wait3A_19 = arith.constant 0 : i32
      %dma_wait3A_20 = tpu.memref_slice %arg10[%mul3A_10, %dma_wait3A_19] : memref<10112x128xf32, #tpu.memory_space<vmem_shared>> -> memref<632x128xf32, #tpu.memory_space<vmem_shared>>
      tpu.wait_dma2 semaphore(%run_scoped3A : memref<!tpu.dma_semaphore, #tpu.memory_space<semaphore_mem>>) src(%dma_wait3A_20 : memref<632x128xf32, #tpu.memory_space<vmem_shared>>) dst(%dma_wait3A_18 : memref<632x128xf32, #tpu.memory_space<hbm>>)
      tpu.yield
    }) : () -> ()
    return
  }
}

#map = affine_map<(d0, d1) -> (0, 0)>
#map1 = affine_map<(d0, d1) -> (0, 0, 0)>
module attributes {stable_mosaic.version = 14 : i64} {
  func.func @_sc_aggregate(%arg0: i32, %arg1: i32, %arg2: memref<10000x128xf32, #tpu.memory_space<hbm>>, %arg3: memref<32x79x128xi32, #tpu.memory_space<hbm>>, %arg4: memref<32x79x128xi32, #tpu.memory_space<hbm>>, %arg5: memref<632x128xf32, #tpu.memory_space<hbm>>, %arg6: memref<2x10112x128xf32, #tpu.memory_space<hbm>>, %arg7: memref<79x128xi32, #tpu.memory_space<vmem>>, %arg8: memref<79x128xi32, #tpu.memory_space<vmem>>, %arg9: memref<128x128xf32, #tpu.memory_space<vmem>>, %arg10: memref<10112x128xf32, #tpu.memory_space<vmem_shared>>) attributes {dimension_semantics = [#tpu.dimension_semantics<core_parallel>, #tpu.dimension_semantics<subcore_parallel>], iteration_bounds = array<i64: 2, 16>, scalar_prefetch = 0 : i64, scratch_operands = 4 : i64, tpu.core_type = #tpu.core_type<sc_vector_subcore>, window_params = [{transform_indices = #map}, {transform_indices = #map1}, {transform_indices = #map1}, {transform_indices = #map}, {transform_indices = #map1}]} {
    %mul3A = arith.constant 16 : i32
    %mul3A_0 = arith.muli %arg0, %mul3A : i32
    %add3A = arith.addi %mul3A_0, %arg1 : i32
    %mul3A_1 = arith.constant 632 : i32
    %mul3A_2 = arith.muli %arg1, %mul3A_1 : i32
    "tpu.region"() ({
      %run_scoped3A = tpu.sem_alloc : memref<!tpu.dma_semaphore, #tpu.memory_space<semaphore_mem>>
      %dma_start3A = arith.constant 0 : i32
      %dma_start3A_13 = tpu.memref_slice %arg10[%mul3A_2, %dma_start3A] : memref<10112x128xf32, #tpu.memory_space<vmem_shared>> -> memref<632x128xf32, #tpu.memory_space<vmem_shared>>
      tpu.enqueue_dma source(%arg5 : memref<632x128xf32, #tpu.memory_space<hbm>>) target(%dma_start3A_13 : memref<632x128xf32, #tpu.memory_space<vmem_shared>>) target_semaphore(%run_scoped3A : memref<!tpu.dma_semaphore, #tpu.memory_space<semaphore_mem>>)
      %dma_wait3A = arith.constant 0 : i32
      %dma_wait3A_14 = tpu.memref_slice %arg10[%mul3A_2, %dma_wait3A] : memref<10112x128xf32, #tpu.memory_space<vmem_shared>> -> memref<632x128xf32, #tpu.memory_space<vmem_shared>>
      tpu.wait_dma2 semaphore(%run_scoped3A : memref<!tpu.dma_semaphore, #tpu.memory_space<semaphore_mem>>) src(%arg5 : memref<632x128xf32, #tpu.memory_space<hbm>>) dst(%dma_wait3A_14 : memref<632x128xf32, #tpu.memory_space<vmem_shared>>)
      tpu.yield
    }) : () -> ()
    "tpu.region"() ({
      %run_scoped3A = tpu.sem_alloc : memref<!tpu.dma_semaphore, #tpu.memory_space<semaphore_mem>>
      %dma_start3A = arith.constant 0 : i32
      %dma_start3A_13 = arith.constant 0 : i32
      %dma_start3A_14 = tpu.memref_slice %arg3[%add3A, %dma_start3A, %dma_start3A_13] : memref<32x79x128xi32, #tpu.memory_space<hbm>> -> memref<1x79x128xi32, #tpu.memory_space<hbm>>
      %dma_start3A_15 = tpu.memref_squeeze %dma_start3A_14 : memref<1x79x128xi32, #tpu.memory_space<hbm>> -> memref<79x128xi32, #tpu.memory_space<hbm>>
      %dma_start3A_16 = arith.constant 0 : i32
      %dma_start3A_17 = arith.constant 0 : i32
      %dma_start3A_18 = tpu.memref_slice %arg3[%add3A, %dma_start3A_16, %dma_start3A_17] : memref<32x79x128xi32, #tpu.memory_space<hbm>> -> memref<1x79x128xi32, #tpu.memory_space<hbm>>
      %dma_start3A_19 = tpu.memref_squeeze %dma_start3A_18 : memref<1x79x128xi32, #tpu.memory_space<hbm>> -> memref<79x128xi32, #tpu.memory_space<hbm>>
      tpu.enqueue_dma source(%dma_start3A_19 : memref<79x128xi32, #tpu.memory_space<hbm>>) target(%arg7 : memref<79x128xi32, #tpu.memory_space<vmem>>) target_semaphore(%run_scoped3A : memref<!tpu.dma_semaphore, #tpu.memory_space<semaphore_mem>>)
      %dma_wait3A = arith.constant 0 : i32
      %dma_wait3A_20 = arith.constant 0 : i32
      %dma_wait3A_21 = tpu.memref_slice %arg3[%add3A, %dma_wait3A, %dma_wait3A_20] : memref<32x79x128xi32, #tpu.memory_space<hbm>> -> memref<1x79x128xi32, #tpu.memory_space<hbm>>
      %dma_wait3A_22 = tpu.memref_squeeze %dma_wait3A_21 : memref<1x79x128xi32, #tpu.memory_space<hbm>> -> memref<79x128xi32, #tpu.memory_space<hbm>>
      %dma_wait3A_23 = arith.constant 0 : i32
      %dma_wait3A_24 = arith.constant 0 : i32
      %dma_wait3A_25 = tpu.memref_slice %arg3[%add3A, %dma_wait3A_23, %dma_wait3A_24] : memref<32x79x128xi32, #tpu.memory_space<hbm>> -> memref<1x79x128xi32, #tpu.memory_space<hbm>>
      %dma_wait3A_26 = tpu.memref_squeeze %dma_wait3A_25 : memref<1x79x128xi32, #tpu.memory_space<hbm>> -> memref<79x128xi32, #tpu.memory_space<hbm>>
      tpu.wait_dma2 semaphore(%run_scoped3A : memref<!tpu.dma_semaphore, #tpu.memory_space<semaphore_mem>>) src(%dma_wait3A_26 : memref<79x128xi32, #tpu.memory_space<hbm>>) dst(%arg7 : memref<79x128xi32, #tpu.memory_space<vmem>>)
      tpu.yield
    }) : () -> ()
    "tpu.region"() ({
      %run_scoped3A = tpu.sem_alloc : memref<!tpu.dma_semaphore, #tpu.memory_space<semaphore_mem>>
      %dma_start3A = arith.constant 0 : i32
      %dma_start3A_13 = arith.constant 0 : i32
      %dma_start3A_14 = tpu.memref_slice %arg4[%add3A, %dma_start3A, %dma_start3A_13] : memref<32x79x128xi32, #tpu.memory_space<hbm>> -> memref<1x79x128xi32, #tpu.memory_space<hbm>>
      %dma_start3A_15 = tpu.memref_squeeze %dma_start3A_14 : memref<1x79x128xi32, #tpu.memory_space<hbm>> -> memref<79x128xi32, #tpu.memory_space<hbm>>
      %dma_start3A_16 = arith.constant 0 : i32
      %dma_start3A_17 = arith.constant 0 : i32
      %dma_start3A_18 = tpu.memref_slice %arg4[%add3A, %dma_start3A_16, %dma_start3A_17] : memref<32x79x128xi32, #tpu.memory_space<hbm>> -> memref<1x79x128xi32, #tpu.memory_space<hbm>>
      %dma_start3A_19 = tpu.memref_squeeze %dma_start3A_18 : memref<1x79x128xi32, #tpu.memory_space<hbm>> -> memref<79x128xi32, #tpu.memory_space<hbm>>
      tpu.enqueue_dma source(%dma_start3A_19 : memref<79x128xi32, #tpu.memory_space<hbm>>) target(%arg8 : memref<79x128xi32, #tpu.memory_space<vmem>>) target_semaphore(%run_scoped3A : memref<!tpu.dma_semaphore, #tpu.memory_space<semaphore_mem>>)
      %dma_wait3A = arith.constant 0 : i32
      %dma_wait3A_20 = arith.constant 0 : i32
      %dma_wait3A_21 = tpu.memref_slice %arg4[%add3A, %dma_wait3A, %dma_wait3A_20] : memref<32x79x128xi32, #tpu.memory_space<hbm>> -> memref<1x79x128xi32, #tpu.memory_space<hbm>>
      %dma_wait3A_22 = tpu.memref_squeeze %dma_wait3A_21 : memref<1x79x128xi32, #tpu.memory_space<hbm>> -> memref<79x128xi32, #tpu.memory_space<hbm>>
      %dma_wait3A_23 = arith.constant 0 : i32
      %dma_wait3A_24 = arith.constant 0 : i32
      %dma_wait3A_25 = tpu.memref_slice %arg4[%add3A, %dma_wait3A_23, %dma_wait3A_24] : memref<32x79x128xi32, #tpu.memory_space<hbm>> -> memref<1x79x128xi32, #tpu.memory_space<hbm>>
      %dma_wait3A_26 = tpu.memref_squeeze %dma_wait3A_25 : memref<1x79x128xi32, #tpu.memory_space<hbm>> -> memref<79x128xi32, #tpu.memory_space<hbm>>
      tpu.wait_dma2 semaphore(%run_scoped3A : memref<!tpu.dma_semaphore, #tpu.memory_space<semaphore_mem>>) src(%dma_wait3A_26 : memref<79x128xi32, #tpu.memory_space<hbm>>) dst(%arg8 : memref<79x128xi32, #tpu.memory_space<vmem>>)
      tpu.yield
    }) : () -> ()
    %barrier3A = arith.constant 0 : index
    tpu.barrier barrier_id(%barrier3A)
    %scan3A = arith.constant 0 : i32
    %scan3A_3 = arith.constant 0 : i32
    %scan3A_4 = arith.constant 79 : i32
    %scan3A_5 = arith.addi %scan3A_3, %scan3A_4 : i32
    %scan3A_6 = arith.constant 1 : i32
    scf.for %scan3A_13 = %scan3A_3 to %scan3A_5 step %scan3A_6  : i32 {
      "tpu.region"() ({
        %run_scoped3A = tpu.sem_alloc : memref<!tpu.dma_semaphore, #tpu.memory_space<semaphore_mem>>
        %dma_start3A = arith.constant 0 : i32
        %dma_start3A_14 = tpu.memref_slice %arg7[%scan3A_13, %dma_start3A] : memref<79x128xi32, #tpu.memory_space<vmem>> -> memref<1x128xi32, #tpu.memory_space<vmem>>
        %dma_start3A_15 = tpu.memref_squeeze %dma_start3A_14 : memref<1x128xi32, #tpu.memory_space<vmem>> -> memref<128xi32, #tpu.memory_space<vmem>>
        %dma_start3A_16 = arith.constant 0 : i32
        %dma_start3A_17 = arith.constant 0 : i32
        %dma_start3A_18 = tpu.memref_slice %arg2[%dma_start3A_16, %dma_start3A_17] : memref<10000x128xf32, #tpu.memory_space<hbm>> -> memref<10000x128xf32, #tpu.memory_space<hbm>>
        tpu.enqueue_indirect_dma source(%dma_start3A_18 : memref<10000x128xf32, #tpu.memory_space<hbm>>) target(%arg9 : memref<128x128xf32, #tpu.memory_space<vmem>>) offsets(%dma_start3A_15 : memref<128xi32, #tpu.memory_space<vmem>>) semaphore(%run_scoped3A : memref<!tpu.dma_semaphore, #tpu.memory_space<semaphore_mem>>)
        %dma_wait3A = arith.constant 0 : i32
        %dma_wait3A_19 = tpu.memref_slice %arg7[%scan3A_13, %dma_wait3A] : memref<79x128xi32, #tpu.memory_space<vmem>> -> memref<1x128xi32, #tpu.memory_space<vmem>>
        %dma_wait3A_20 = tpu.memref_squeeze %dma_wait3A_19 : memref<1x128xi32, #tpu.memory_space<vmem>> -> memref<128xi32, #tpu.memory_space<vmem>>
        %dma_wait3A_21 = arith.constant 0 : i32
        %dma_wait3A_22 = arith.constant 0 : i32
        %dma_wait3A_23 = tpu.memref_slice %arg2[%dma_wait3A_21, %dma_wait3A_22] : memref<10000x128xf32, #tpu.memory_space<hbm>> -> memref<10000x128xf32, #tpu.memory_space<hbm>>
        tpu.wait_indirect_dma semaphore(%run_scoped3A : memref<!tpu.dma_semaphore, #tpu.memory_space<semaphore_mem>>) src(%dma_wait3A_23 : memref<10000x128xf32, #tpu.memory_space<hbm>>) dst(%arg9 : memref<128x128xf32, #tpu.memory_space<vmem>>)
        tpu.yield
      }) : () -> ()
      "tpu.region"() ({
        %run_scoped3A = tpu.sem_alloc : memref<!tpu.dma_semaphore, #tpu.memory_space<semaphore_mem>>
        %dma_start3A = arith.constant 0 : i32
        %dma_start3A_14 = tpu.memref_slice %arg8[%scan3A_13, %dma_start3A] : memref<79x128xi32, #tpu.memory_space<vmem>> -> memref<1x128xi32, #tpu.memory_space<vmem>>
        %dma_start3A_15 = tpu.memref_squeeze %dma_start3A_14 : memref<1x128xi32, #tpu.memory_space<vmem>> -> memref<128xi32, #tpu.memory_space<vmem>>
        %dma_start3A_16 = arith.constant 0 : i32
        %dma_start3A_17 = arith.constant 0 : i32
        %dma_start3A_18 = tpu.memref_slice %arg10[%dma_start3A_16, %dma_start3A_17] : memref<10112x128xf32, #tpu.memory_space<vmem_shared>> -> memref<10112x128xf32, #tpu.memory_space<vmem_shared>>
        tpu.enqueue_indirect_dma source(%arg9 : memref<128x128xf32, #tpu.memory_space<vmem>>) target(%dma_start3A_18 : memref<10112x128xf32, #tpu.memory_space<vmem_shared>>) offsets(%dma_start3A_15 : memref<128xi32, #tpu.memory_space<vmem>>) semaphore(%run_scoped3A : memref<!tpu.dma_semaphore, #tpu.memory_space<semaphore_mem>>) {add = true}
        %dma_wait3A = arith.constant 0 : i32
        %dma_wait3A_19 = tpu.memref_slice %arg8[%scan3A_13, %dma_wait3A] : memref<79x128xi32, #tpu.memory_space<vmem>> -> memref<1x128xi32, #tpu.memory_space<vmem>>
        %dma_wait3A_20 = tpu.memref_squeeze %dma_wait3A_19 : memref<1x128xi32, #tpu.memory_space<vmem>> -> memref<128xi32, #tpu.memory_space<vmem>>
        %dma_wait3A_21 = arith.constant 0 : i32
        %dma_wait3A_22 = arith.constant 0 : i32
        %dma_wait3A_23 = tpu.memref_slice %arg10[%dma_wait3A_21, %dma_wait3A_22] : memref<10112x128xf32, #tpu.memory_space<vmem_shared>> -> memref<10112x128xf32, #tpu.memory_space<vmem_shared>>
        tpu.wait_indirect_dma semaphore(%run_scoped3A : memref<!tpu.dma_semaphore, #tpu.memory_space<semaphore_mem>>) src(%arg9 : memref<128x128xf32, #tpu.memory_space<vmem>>) dst(%dma_wait3A_23 : memref<10112x128xf32, #tpu.memory_space<vmem_shared>>)
        tpu.yield
      }) : () -> ()
    }
    %scan3A_7 = arith.constant 79 : i32
    %barrier3A_8 = arith.constant 0 : index
    tpu.barrier barrier_id(%barrier3A_8)
    %mul3A_9 = arith.constant 632 : i32
    %mul3A_10 = arith.muli %arg1, %mul3A_9 : i32
    %mul3A_11 = arith.constant 632 : i32
    %mul3A_12 = arith.muli %arg1, %mul3A_11 : i32
    "tpu.region"() ({
      %run_scoped3A = tpu.sem_alloc : memref<!tpu.dma_semaphore, #tpu.memory_space<semaphore_mem>>
      %dma_start3A = arith.constant 0 : i32
      %dma_start3A_13 = tpu.memref_slice %arg6[%arg0, %mul3A_12, %dma_start3A] : memref<2x10112x128xf32, #tpu.memory_space<hbm>> -> memref<1x632x128xf32, #tpu.memory_space<hbm>>
      %dma_start3A_14 = tpu.memref_squeeze %dma_start3A_13 : memref<1x632x128xf32, #tpu.memory_space<hbm>> -> memref<632x128xf32, #tpu.memory_space<hbm>>
      %dma_start3A_15 = arith.constant 0 : i32
      %dma_start3A_16 = tpu.memref_slice %arg10[%mul3A_10, %dma_start3A_15] : memref<10112x128xf32, #tpu.memory_space<vmem_shared>> -> memref<632x128xf32, #tpu.memory_space<vmem_shared>>
      tpu.enqueue_dma source(%dma_start3A_16 : memref<632x128xf32, #tpu.memory_space<vmem_shared>>) target(%dma_start3A_14 : memref<632x128xf32, #tpu.memory_space<hbm>>) target_semaphore(%run_scoped3A : memref<!tpu.dma_semaphore, #tpu.memory_space<semaphore_mem>>)
      %dma_wait3A = arith.constant 0 : i32
      %dma_wait3A_17 = tpu.memref_slice %arg6[%arg0, %mul3A_12, %dma_wait3A] : memref<2x10112x128xf32, #tpu.memory_space<hbm>> -> memref<1x632x128xf32, #tpu.memory_space<hbm>>
      %dma_wait3A_18 = tpu.memref_squeeze %dma_wait3A_17 : memref<1x632x128xf32, #tpu.memory_space<hbm>> -> memref<632x128xf32, #tpu.memory_space<hbm>>
      %dma_wait3A_19 = arith.constant 0 : i32
      %dma_wait3A_20 = tpu.memref_slice %arg10[%mul3A_10, %dma_wait3A_19] : memref<10112x128xf32, #tpu.memory_space<vmem_shared>> -> memref<632x128xf32, #tpu.memory_space<vmem_shared>>
      tpu.wait_dma2 semaphore(%run_scoped3A : memref<!tpu.dma_semaphore, #tpu.memory_space<semaphore_mem>>) src(%dma_wait3A_20 : memref<632x128xf32, #tpu.memory_space<vmem_shared>>) dst(%dma_wait3A_18 : memref<632x128xf32, #tpu.memory_space<hbm>>)
      tpu.yield
    }) : () -> ()
    return
  }
}

#map = affine_map<(d0, d1) -> (0, 0)>
#map1 = affine_map<(d0, d1) -> (0, 0, 0)>
module attributes {stable_mosaic.version = 14 : i64} {
  func.func @_sc_aggregate(%arg0: i32, %arg1: i32, %arg2: memref<10000x128xf32, #tpu.memory_space<hbm>>, %arg3: memref<32x79x128xi32, #tpu.memory_space<hbm>>, %arg4: memref<32x79x128xi32, #tpu.memory_space<hbm>>, %arg5: memref<632x128xf32, #tpu.memory_space<hbm>>, %arg6: memref<2x10112x128xf32, #tpu.memory_space<hbm>>, %arg7: memref<79x128xi32, #tpu.memory_space<vmem>>, %arg8: memref<79x128xi32, #tpu.memory_space<vmem>>, %arg9: memref<128x128xf32, #tpu.memory_space<vmem>>, %arg10: memref<10112x128xf32, #tpu.memory_space<vmem_shared>>) attributes {dimension_semantics = [#tpu.dimension_semantics<core_parallel>, #tpu.dimension_semantics<subcore_parallel>], iteration_bounds = array<i64: 2, 16>, scalar_prefetch = 0 : i64, scratch_operands = 4 : i64, tpu.core_type = #tpu.core_type<sc_vector_subcore>, window_params = [{transform_indices = #map}, {transform_indices = #map1}, {transform_indices = #map1}, {transform_indices = #map}, {transform_indices = #map1}]} {
    %mul3A = arith.constant 16 : i32
    %mul3A_0 = arith.muli %arg0, %mul3A : i32
    %add3A = arith.addi %mul3A_0, %arg1 : i32
    %mul3A_1 = arith.constant 632 : i32
    %mul3A_2 = arith.muli %arg1, %mul3A_1 : i32
    "tpu.region"() ({
      %run_scoped3A = tpu.sem_alloc : memref<!tpu.dma_semaphore, #tpu.memory_space<semaphore_mem>>
      %dma_start3A = arith.constant 0 : i32
      %dma_start3A_13 = tpu.memref_slice %arg10[%mul3A_2, %dma_start3A] : memref<10112x128xf32, #tpu.memory_space<vmem_shared>> -> memref<632x128xf32, #tpu.memory_space<vmem_shared>>
      tpu.enqueue_dma source(%arg5 : memref<632x128xf32, #tpu.memory_space<hbm>>) target(%dma_start3A_13 : memref<632x128xf32, #tpu.memory_space<vmem_shared>>) target_semaphore(%run_scoped3A : memref<!tpu.dma_semaphore, #tpu.memory_space<semaphore_mem>>)
      %dma_wait3A = arith.constant 0 : i32
      %dma_wait3A_14 = tpu.memref_slice %arg10[%mul3A_2, %dma_wait3A] : memref<10112x128xf32, #tpu.memory_space<vmem_shared>> -> memref<632x128xf32, #tpu.memory_space<vmem_shared>>
      tpu.wait_dma2 semaphore(%run_scoped3A : memref<!tpu.dma_semaphore, #tpu.memory_space<semaphore_mem>>) src(%arg5 : memref<632x128xf32, #tpu.memory_space<hbm>>) dst(%dma_wait3A_14 : memref<632x128xf32, #tpu.memory_space<vmem_shared>>)
      tpu.yield
    }) : () -> ()
    "tpu.region"() ({
      %run_scoped3A = tpu.sem_alloc : memref<!tpu.dma_semaphore, #tpu.memory_space<semaphore_mem>>
      %dma_start3A = arith.constant 0 : i32
      %dma_start3A_13 = arith.constant 0 : i32
      %dma_start3A_14 = tpu.memref_slice %arg3[%add3A, %dma_start3A, %dma_start3A_13] : memref<32x79x128xi32, #tpu.memory_space<hbm>> -> memref<1x79x128xi32, #tpu.memory_space<hbm>>
      %dma_start3A_15 = tpu.memref_squeeze %dma_start3A_14 : memref<1x79x128xi32, #tpu.memory_space<hbm>> -> memref<79x128xi32, #tpu.memory_space<hbm>>
      %dma_start3A_16 = arith.constant 0 : i32
      %dma_start3A_17 = arith.constant 0 : i32
      %dma_start3A_18 = tpu.memref_slice %arg3[%add3A, %dma_start3A_16, %dma_start3A_17] : memref<32x79x128xi32, #tpu.memory_space<hbm>> -> memref<1x79x128xi32, #tpu.memory_space<hbm>>
      %dma_start3A_19 = tpu.memref_squeeze %dma_start3A_18 : memref<1x79x128xi32, #tpu.memory_space<hbm>> -> memref<79x128xi32, #tpu.memory_space<hbm>>
      tpu.enqueue_dma source(%dma_start3A_19 : memref<79x128xi32, #tpu.memory_space<hbm>>) target(%arg7 : memref<79x128xi32, #tpu.memory_space<vmem>>) target_semaphore(%run_scoped3A : memref<!tpu.dma_semaphore, #tpu.memory_space<semaphore_mem>>)
      %dma_wait3A = arith.constant 0 : i32
      %dma_wait3A_20 = arith.constant 0 : i32
      %dma_wait3A_21 = tpu.memref_slice %arg3[%add3A, %dma_wait3A, %dma_wait3A_20] : memref<32x79x128xi32, #tpu.memory_space<hbm>> -> memref<1x79x128xi32, #tpu.memory_space<hbm>>
      %dma_wait3A_22 = tpu.memref_squeeze %dma_wait3A_21 : memref<1x79x128xi32, #tpu.memory_space<hbm>> -> memref<79x128xi32, #tpu.memory_space<hbm>>
      %dma_wait3A_23 = arith.constant 0 : i32
      %dma_wait3A_24 = arith.constant 0 : i32
      %dma_wait3A_25 = tpu.memref_slice %arg3[%add3A, %dma_wait3A_23, %dma_wait3A_24] : memref<32x79x128xi32, #tpu.memory_space<hbm>> -> memref<1x79x128xi32, #tpu.memory_space<hbm>>
      %dma_wait3A_26 = tpu.memref_squeeze %dma_wait3A_25 : memref<1x79x128xi32, #tpu.memory_space<hbm>> -> memref<79x128xi32, #tpu.memory_space<hbm>>
      tpu.wait_dma2 semaphore(%run_scoped3A : memref<!tpu.dma_semaphore, #tpu.memory_space<semaphore_mem>>) src(%dma_wait3A_26 : memref<79x128xi32, #tpu.memory_space<hbm>>) dst(%arg7 : memref<79x128xi32, #tpu.memory_space<vmem>>)
      tpu.yield
    }) : () -> ()
    "tpu.region"() ({
      %run_scoped3A = tpu.sem_alloc : memref<!tpu.dma_semaphore, #tpu.memory_space<semaphore_mem>>
      %dma_start3A = arith.constant 0 : i32
      %dma_start3A_13 = arith.constant 0 : i32
      %dma_start3A_14 = tpu.memref_slice %arg4[%add3A, %dma_start3A, %dma_start3A_13] : memref<32x79x128xi32, #tpu.memory_space<hbm>> -> memref<1x79x128xi32, #tpu.memory_space<hbm>>
      %dma_start3A_15 = tpu.memref_squeeze %dma_start3A_14 : memref<1x79x128xi32, #tpu.memory_space<hbm>> -> memref<79x128xi32, #tpu.memory_space<hbm>>
      %dma_start3A_16 = arith.constant 0 : i32
      %dma_start3A_17 = arith.constant 0 : i32
      %dma_start3A_18 = tpu.memref_slice %arg4[%add3A, %dma_start3A_16, %dma_start3A_17] : memref<32x79x128xi32, #tpu.memory_space<hbm>> -> memref<1x79x128xi32, #tpu.memory_space<hbm>>
      %dma_start3A_19 = tpu.memref_squeeze %dma_start3A_18 : memref<1x79x128xi32, #tpu.memory_space<hbm>> -> memref<79x128xi32, #tpu.memory_space<hbm>>
      tpu.enqueue_dma source(%dma_start3A_19 : memref<79x128xi32, #tpu.memory_space<hbm>>) target(%arg8 : memref<79x128xi32, #tpu.memory_space<vmem>>) target_semaphore(%run_scoped3A : memref<!tpu.dma_semaphore, #tpu.memory_space<semaphore_mem>>)
      %dma_wait3A = arith.constant 0 : i32
      %dma_wait3A_20 = arith.constant 0 : i32
      %dma_wait3A_21 = tpu.memref_slice %arg4[%add3A, %dma_wait3A, %dma_wait3A_20] : memref<32x79x128xi32, #tpu.memory_space<hbm>> -> memref<1x79x128xi32, #tpu.memory_space<hbm>>
      %dma_wait3A_22 = tpu.memref_squeeze %dma_wait3A_21 : memref<1x79x128xi32, #tpu.memory_space<hbm>> -> memref<79x128xi32, #tpu.memory_space<hbm>>
      %dma_wait3A_23 = arith.constant 0 : i32
      %dma_wait3A_24 = arith.constant 0 : i32
      %dma_wait3A_25 = tpu.memref_slice %arg4[%add3A, %dma_wait3A_23, %dma_wait3A_24] : memref<32x79x128xi32, #tpu.memory_space<hbm>> -> memref<1x79x128xi32, #tpu.memory_space<hbm>>
      %dma_wait3A_26 = tpu.memref_squeeze %dma_wait3A_25 : memref<1x79x128xi32, #tpu.memory_space<hbm>> -> memref<79x128xi32, #tpu.memory_space<hbm>>
      tpu.wait_dma2 semaphore(%run_scoped3A : memref<!tpu.dma_semaphore, #tpu.memory_space<semaphore_mem>>) src(%dma_wait3A_26 : memref<79x128xi32, #tpu.memory_space<hbm>>) dst(%arg8 : memref<79x128xi32, #tpu.memory_space<vmem>>)
      tpu.yield
    }) : () -> ()
    %barrier3A = arith.constant 0 : index
    tpu.barrier barrier_id(%barrier3A)
    %scan3A = arith.constant 0 : i32
    %scan3A_3 = arith.constant 0 : i32
    %scan3A_4 = arith.constant 79 : i32
    %scan3A_5 = arith.addi %scan3A_3, %scan3A_4 : i32
    %scan3A_6 = arith.constant 1 : i32
    scf.for %scan3A_13 = %scan3A_3 to %scan3A_5 step %scan3A_6  : i32 {
      "tpu.region"() ({
        %run_scoped3A = tpu.sem_alloc : memref<!tpu.dma_semaphore, #tpu.memory_space<semaphore_mem>>
        %dma_start3A = arith.constant 0 : i32
        %dma_start3A_14 = tpu.memref_slice %arg7[%scan3A_13, %dma_start3A] : memref<79x128xi32, #tpu.memory_space<vmem>> -> memref<1x128xi32, #tpu.memory_space<vmem>>
        %dma_start3A_15 = tpu.memref_squeeze %dma_start3A_14 : memref<1x128xi32, #tpu.memory_space<vmem>> -> memref<128xi32, #tpu.memory_space<vmem>>
        %dma_start3A_16 = arith.constant 0 : i32
        %dma_start3A_17 = arith.constant 0 : i32
        %dma_start3A_18 = tpu.memref_slice %arg2[%dma_start3A_16, %dma_start3A_17] : memref<10000x128xf32, #tpu.memory_space<hbm>> -> memref<10000x128xf32, #tpu.memory_space<hbm>>
        tpu.enqueue_indirect_dma source(%dma_start3A_18 : memref<10000x128xf32, #tpu.memory_space<hbm>>) target(%arg9 : memref<128x128xf32, #tpu.memory_space<vmem>>) offsets(%dma_start3A_15 : memref<128xi32, #tpu.memory_space<vmem>>) semaphore(%run_scoped3A : memref<!tpu.dma_semaphore, #tpu.memory_space<semaphore_mem>>)
        %dma_wait3A = arith.constant 0 : i32
        %dma_wait3A_19 = tpu.memref_slice %arg7[%scan3A_13, %dma_wait3A] : memref<79x128xi32, #tpu.memory_space<vmem>> -> memref<1x128xi32, #tpu.memory_space<vmem>>
        %dma_wait3A_20 = tpu.memref_squeeze %dma_wait3A_19 : memref<1x128xi32, #tpu.memory_space<vmem>> -> memref<128xi32, #tpu.memory_space<vmem>>
        %dma_wait3A_21 = arith.constant 0 : i32
        %dma_wait3A_22 = arith.constant 0 : i32
        %dma_wait3A_23 = tpu.memref_slice %arg2[%dma_wait3A_21, %dma_wait3A_22] : memref<10000x128xf32, #tpu.memory_space<hbm>> -> memref<10000x128xf32, #tpu.memory_space<hbm>>
        tpu.wait_indirect_dma semaphore(%run_scoped3A : memref<!tpu.dma_semaphore, #tpu.memory_space<semaphore_mem>>) src(%dma_wait3A_23 : memref<10000x128xf32, #tpu.memory_space<hbm>>) dst(%arg9 : memref<128x128xf32, #tpu.memory_space<vmem>>)
        tpu.yield
      }) : () -> ()
      "tpu.region"() ({
        %run_scoped3A = tpu.sem_alloc : memref<!tpu.dma_semaphore, #tpu.memory_space<semaphore_mem>>
        %dma_start3A = arith.constant 0 : i32
        %dma_start3A_14 = tpu.memref_slice %arg8[%scan3A_13, %dma_start3A] : memref<79x128xi32, #tpu.memory_space<vmem>> -> memref<1x128xi32, #tpu.memory_space<vmem>>
        %dma_start3A_15 = tpu.memref_squeeze %dma_start3A_14 : memref<1x128xi32, #tpu.memory_space<vmem>> -> memref<128xi32, #tpu.memory_space<vmem>>
        %dma_start3A_16 = arith.constant 0 : i32
        %dma_start3A_17 = arith.constant 0 : i32
        %dma_start3A_18 = tpu.memref_slice %arg10[%dma_start3A_16, %dma_start3A_17] : memref<10112x128xf32, #tpu.memory_space<vmem_shared>> -> memref<10112x128xf32, #tpu.memory_space<vmem_shared>>
        tpu.enqueue_indirect_dma source(%arg9 : memref<128x128xf32, #tpu.memory_space<vmem>>) target(%dma_start3A_18 : memref<10112x128xf32, #tpu.memory_space<vmem_shared>>) offsets(%dma_start3A_15 : memref<128xi32, #tpu.memory_space<vmem>>) semaphore(%run_scoped3A : memref<!tpu.dma_semaphore, #tpu.memory_space<semaphore_mem>>) {add = true}
        %dma_wait3A = arith.constant 0 : i32
        %dma_wait3A_19 = tpu.memref_slice %arg8[%scan3A_13, %dma_wait3A] : memref<79x128xi32, #tpu.memory_space<vmem>> -> memref<1x128xi32, #tpu.memory_space<vmem>>
        %dma_wait3A_20 = tpu.memref_squeeze %dma_wait3A_19 : memref<1x128xi32, #tpu.memory_space<vmem>> -> memref<128xi32, #tpu.memory_space<vmem>>
        %dma_wait3A_21 = arith.constant 0 : i32
        %dma_wait3A_22 = arith.constant 0 : i32
        %dma_wait3A_23 = tpu.memref_slice %arg10[%dma_wait3A_21, %dma_wait3A_22] : memref<10112x128xf32, #tpu.memory_space<vmem_shared>> -> memref<10112x128xf32, #tpu.memory_space<vmem_shared>>
        tpu.wait_indirect_dma semaphore(%run_scoped3A : memref<!tpu.dma_semaphore, #tpu.memory_space<semaphore_mem>>) src(%arg9 : memref<128x128xf32, #tpu.memory_space<vmem>>) dst(%dma_wait3A_23 : memref<10112x128xf32, #tpu.memory_space<vmem_shared>>)
        tpu.yield
      }) : () -> ()
    }
    %scan3A_7 = arith.constant 79 : i32
    %barrier3A_8 = arith.constant 0 : index
    tpu.barrier barrier_id(%barrier3A_8)
    %mul3A_9 = arith.constant 632 : i32
    %mul3A_10 = arith.muli %arg1, %mul3A_9 : i32
    %mul3A_11 = arith.constant 632 : i32
    %mul3A_12 = arith.muli %arg1, %mul3A_11 : i32
    "tpu.region"() ({
      %run_scoped3A = tpu.sem_alloc : memref<!tpu.dma_semaphore, #tpu.memory_space<semaphore_mem>>
      %dma_start3A = arith.constant 0 : i32
      %dma_start3A_13 = tpu.memref_slice %arg6[%arg0, %mul3A_12, %dma_start3A] : memref<2x10112x128xf32, #tpu.memory_space<hbm>> -> memref<1x632x128xf32, #tpu.memory_space<hbm>>
      %dma_start3A_14 = tpu.memref_squeeze %dma_start3A_13 : memref<1x632x128xf32, #tpu.memory_space<hbm>> -> memref<632x128xf32, #tpu.memory_space<hbm>>
      %dma_start3A_15 = arith.constant 0 : i32
      %dma_start3A_16 = tpu.memref_slice %arg10[%mul3A_10, %dma_start3A_15] : memref<10112x128xf32, #tpu.memory_space<vmem_shared>> -> memref<632x128xf32, #tpu.memory_space<vmem_shared>>
      tpu.enqueue_dma source(%dma_start3A_16 : memref<632x128xf32, #tpu.memory_space<vmem_shared>>) target(%dma_start3A_14 : memref<632x128xf32, #tpu.memory_space<hbm>>) target_semaphore(%run_scoped3A : memref<!tpu.dma_semaphore, #tpu.memory_space<semaphore_mem>>)
      %dma_wait3A = arith.constant 0 : i32
      %dma_wait3A_17 = tpu.memref_slice %arg6[%arg0, %mul3A_12, %dma_wait3A] : memref<2x10112x128xf32, #tpu.memory_space<hbm>> -> memref<1x632x128xf32, #tpu.memory_space<hbm>>
      %dma_wait3A_18 = tpu.memref_squeeze %dma_wait3A_17 : memref<1x632x128xf32, #tpu.memory_space<hbm>> -> memref<632x128xf32, #tpu.memory_space<hbm>>
      %dma_wait3A_19 = arith.constant 0 : i32
      %dma_wait3A_20 = tpu.memref_slice %arg10[%mul3A_10, %dma_wait3A_19] : memref<10112x128xf32, #tpu.memory_space<vmem_shared>> -> memref<632x128xf32, #tpu.memory_space<vmem_shared>>
      tpu.wait_dma2 semaphore(%run_scoped3A : memref<!tpu.dma_semaphore, #tpu.memory_space<semaphore_mem>>) src(%dma_wait3A_20 : memref<632x128xf32, #tpu.memory_space<vmem_shared>>) dst(%dma_wait3A_18 : memref<632x128xf32, #tpu.memory_space<hbm>>)
      tpu.yield
    }) : () -> ()
    return
  }
}

module attributes {stable_mosaic.version = 14 : i64} {
  func.func @body(%arg0: i32, %arg1: memref<1000x128xf32, #tpu.memory_space<vmem>>, %arg2: memref<128x128xf32, #tpu.memory_space<vmem>>, %arg3: memref<1000x1xf32, #tpu.memory_space<vmem>>, %arg4: memref<1000x1xf32, #tpu.memory_space<vmem>>, %arg5: memref<1000x128xf32, #tpu.memory_space<vmem>>, %arg6: memref<1000x1xf32, #tpu.memory_space<vmem>>) attributes {dimension_semantics = [#tpu.dimension_semantics<arbitrary>], iteration_bounds = array<i64: 10>, scalar_prefetch = 0 : i64, scratch_operands = 0 : i64, tpu.core_type = #tpu.core_type<tc>, window_params = [{transform_indices = @transform_0, window_bounds = array<i64: 1000, 128>}, {pipeline_mode = #tpu.pipeline_mode<synchronous>, transform_indices = @transform_1, window_bounds = array<i64: 128, 128>}, {transform_indices = @transform_2, window_bounds = array<i64: 1000, 1>}, {transform_indices = @transform_3, window_bounds = array<i64: 1000, 1>}, {transform_indices = @transform_4, window_bounds = array<i64: 1000, 128>}, {transform_indices = @transform_5, window_bounds = array<i64: 1000, 1>}]} {
    %get3A = arith.constant 0 : index
    %get3A_0 = arith.constant 0 : index
    %get3A_1 = vector.load %arg3[%get3A, %get3A_0] : memref<1000x1xf32, #tpu.memory_space<vmem>>, vector<1000x1xf32>
    %add3A = arith.constant 1.000000e+00 : f32
    %add3A_2 = vector.broadcast %add3A : f32 to vector<1000x1xf32>
    %add3A_3 = arith.addf %add3A_2, %get3A_1 : vector<1000x1xf32>
    %get3A_4 = arith.constant 0 : index
    %get3A_5 = arith.constant 0 : index
    %get3A_6 = vector.load %arg4[%get3A_4, %get3A_5] : memref<1000x1xf32, #tpu.memory_space<vmem>>, vector<1000x1xf32>
    %add3A_7 = arith.addf %add3A_3, %get3A_6 : vector<1000x1xf32>
    %rsqrt3A = math.rsqrt %add3A_7 : vector<1000x1xf32>
    %swap3A = arith.constant 0 : index
    %swap3A_8 = arith.constant 0 : index
    %swap3A_9 = vector.load %arg6[%swap3A, %swap3A_8] : memref<1000x1xf32, #tpu.memory_space<vmem>>, vector<1000x1xf32>
    tpu.vector_store %arg6[%swap3A, %swap3A_8], %rsqrt3A {strides = array<i32>} : memref<1000x1xf32, #tpu.memory_space<vmem>>, vector<1000x1xf32>,
    %get3A_10 = arith.constant 0 : index
    %get3A_11 = arith.constant 0 : index
    %get3A_12 = vector.load %arg1[%get3A_10, %get3A_11] : memref<1000x128xf32, #tpu.memory_space<vmem>>, vector<1000x128xf32>
    %get3A_13 = arith.constant 0 : index
    %get3A_14 = arith.constant 0 : index
    %get3A_15 = vector.load %arg2[%get3A_13, %get3A_14] : memref<128x128xf32, #tpu.memory_space<vmem>>, vector<128x128xf32>
    %dot_general3A = arith.constant dense<0.000000e+00> : vector<1000x128xf32>
    %dot_general3A_16 = tpu.matmul %get3A_12, %get3A_15, %dot_general3A {dimension_numbers = #tpu.dot_dimension_numbers<[1], [0], [0], [1], [0, 0, 1, 1], [], []>, transpose_lhs_hint = false} : vector<1000x128xf32>, vector<128x128xf32>, vector<1000x128xf32> -> vector<1000x128xf32>
    %mul3A = vector.broadcast %rsqrt3A : vector<1000x1xf32> to vector<1000x128xf32>
    %mul3A_17 = arith.mulf %dot_general3A_16, %mul3A : vector<1000x128xf32>
    %swap3A_18 = arith.constant 0 : index
    %swap3A_19 = arith.constant 0 : index
    %swap3A_20 = vector.load %arg5[%swap3A_18, %swap3A_19] : memref<1000x128xf32, #tpu.memory_space<vmem>>, vector<1000x128xf32>
    tpu.vector_store %arg5[%swap3A_18, %swap3A_19], %mul3A_17 {strides = array<i32>} : memref<1000x128xf32, #tpu.memory_space<vmem>>, vector<1000x128xf32>,
    return
  }
  func.func @transform_0(%arg0: i32) -> (i32, i32) {
    %c0_i32 = arith.constant 0 : i32
    %c0_i32_0 = arith.constant 0 : i32
    return %arg0, %c0_i32 : i32, i32
  }
  func.func @transform_1(%arg0: i32) -> (i32, i32) {
    %c0_i32 = arith.constant 0 : i32
    %c0_i32_0 = arith.constant 0 : i32
    %c0_i32_1 = arith.constant 0 : i32
    return %c0_i32, %c0_i32_0 : i32, i32
  }
  func.func @transform_2(%arg0: i32) -> (i32, i32) {
    %c0_i32 = arith.constant 0 : i32
    %c0_i32_0 = arith.constant 0 : i32
    return %arg0, %c0_i32 : i32, i32
  }
  func.func @transform_3(%arg0: i32) -> (i32, i32) {
    %c0_i32 = arith.constant 0 : i32
    %c0_i32_0 = arith.constant 0 : i32
    return %arg0, %c0_i32 : i32, i32
  }
  func.func @transform_4(%arg0: i32) -> (i32, i32) {
    %c0_i32 = arith.constant 0 : i32
    %c0_i32_0 = arith.constant 0 : i32
    return %arg0, %c0_i32 : i32, i32
  }
  func.func @transform_5(%arg0: i32) -> (i32, i32) {
    %c0_i32 = arith.constant 0 : i32
    %c0_i32_0 = arith.constant 0 : i32
    return %arg0, %c0_i32 : i32, i32
  }
}

module attributes {stable_mosaic.version = 14 : i64} {
  func.func @body(%arg0: i32, %arg1: memref<1000x128xf32, #tpu.memory_space<vmem>>, %arg2: memref<1000x128xf32, #tpu.memory_space<vmem>>, %arg3: memref<1000x128xf32, #tpu.memory_space<vmem>>, %arg4: memref<1000x1xf32, #tpu.memory_space<vmem>>, %arg5: memref<1x128xf32, #tpu.memory_space<vmem>>, %arg6: memref<1000x128xf32, #tpu.memory_space<vmem>>, %arg7: memref<1x128xf32, #tpu.memory_space<vmem>>, %arg8: memref<1x128xf32, #tpu.memory_space<vmem>>) attributes {dimension_semantics = [#tpu.dimension_semantics<arbitrary>], iteration_bounds = array<i64: 10>, scalar_prefetch = 0 : i64, scratch_operands = 0 : i64, tpu.core_type = #tpu.core_type<tc>, window_params = [{transform_indices = @transform_0, window_bounds = array<i64: 1000, 128>}, {transform_indices = @transform_1, window_bounds = array<i64: 1000, 128>}, {transform_indices = @transform_2, window_bounds = array<i64: 1000, 128>}, {transform_indices = @transform_3, window_bounds = array<i64: 1000, 1>}, {pipeline_mode = #tpu.pipeline_mode<synchronous>, transform_indices = @transform_4, window_bounds = array<i64: 1, 128>}, {transform_indices = @transform_5, window_bounds = array<i64: 1000, 128>}, {pipeline_mode = #tpu.pipeline_mode<synchronous>, transform_indices = @transform_6, window_bounds = array<i64: 1, 128>}, {pipeline_mode = #tpu.pipeline_mode<synchronous>, transform_indices = @transform_7, window_bounds = array<i64: 1, 128>}]} {
    %get3A = arith.constant 0 : index
    %get3A_0 = arith.constant 0 : index
    %get3A_1 = vector.load %arg1[%get3A, %get3A_0] : memref<1000x128xf32, #tpu.memory_space<vmem>>, vector<1000x128xf32>
    %get3A_2 = arith.constant 0 : index
    %get3A_3 = arith.constant 0 : index
    %get3A_4 = vector.load %arg2[%get3A_2, %get3A_3] : memref<1000x128xf32, #tpu.memory_space<vmem>>, vector<1000x128xf32>
    %add3A = arith.addf %get3A_1, %get3A_4 : vector<1000x128xf32>
    %get3A_5 = arith.constant 0 : index
    %get3A_6 = arith.constant 0 : index
    %get3A_7 = vector.load %arg3[%get3A_5, %get3A_6] : memref<1000x128xf32, #tpu.memory_space<vmem>>, vector<1000x128xf32>
    %add3A_8 = arith.addf %add3A, %get3A_7 : vector<1000x128xf32>
    %get3A_9 = arith.constant 0 : index
    %get3A_10 = arith.constant 0 : index
    %get3A_11 = vector.load %arg4[%get3A_9, %get3A_10] : memref<1000x1xf32, #tpu.memory_space<vmem>>, vector<1000x1xf32>
    %mul3A = vector.broadcast %get3A_11 : vector<1000x1xf32> to vector<1000x128xf32>
    %mul3A_12 = arith.mulf %add3A_8, %mul3A : vector<1000x128xf32>
    %get3A_13 = arith.constant 0 : index
    %get3A_14 = arith.constant 0 : index
    %get3A_15 = vector.load %arg5[%get3A_13, %get3A_14] : memref<1x128xf32, #tpu.memory_space<vmem>>, vector<1x128xf32>
    %add3A_16 = vector.broadcast %get3A_15 : vector<1x128xf32> to vector<1000x128xf32>
    %add3A_17 = arith.addf %mul3A_12, %add3A_16 : vector<1000x128xf32>
    %swap3A = arith.constant 0 : index
    %swap3A_18 = arith.constant 0 : index
    %swap3A_19 = vector.load %arg6[%swap3A, %swap3A_18] : memref<1000x128xf32, #tpu.memory_space<vmem>>, vector<1000x128xf32>
    tpu.vector_store %arg6[%swap3A, %swap3A_18], %add3A_17 {strides = array<i32>} : memref<1000x128xf32, #tpu.memory_space<vmem>>, vector<1000x128xf32>,
    %eq3A = arith.constant 0 : i32
    %eq3A_20 = arith.cmpi eq, %arg0, %eq3A : i32
    %convert_element_type3A = arith.extui %eq3A_20 : i1 to i32
    %cond3A = arith.constant 0 : i32
    %cond3A_21 = arith.cmpi ne, %convert_element_type3A, %cond3A : i32
    scf.if %cond3A_21 {
      %broadcast_in_dim3A_41 = arith.constant 0.000000e+00 : f32
      %broadcast_in_dim3A_42 = vector.broadcast %broadcast_in_dim3A_41 : f32 to vector<1x128xf32>
      %swap3A_43 = arith.constant 0 : index
      %swap3A_44 = arith.constant 0 : index
      %swap3A_45 = vector.load %arg7[%swap3A_43, %swap3A_44] : memref<1x128xf32, #tpu.memory_space<vmem>>, vector<1x128xf32>
      tpu.vector_store %arg7[%swap3A_43, %swap3A_44], %broadcast_in_dim3A_42 {strides = array<i32>} : memref<1x128xf32, #tpu.memory_space<vmem>>, vector<1x128xf32>,
      %broadcast_in_dim3A_46 = arith.constant 0.000000e+00 : f32
      %broadcast_in_dim3A_47 = vector.broadcast %broadcast_in_dim3A_46 : f32 to vector<1x128xf32>
      %swap3A_48 = arith.constant 0 : index
      %swap3A_49 = arith.constant 0 : index
      %swap3A_50 = vector.load %arg8[%swap3A_48, %swap3A_49] : memref<1x128xf32, #tpu.memory_space<vmem>>, vector<1x128xf32>
      tpu.vector_store %arg8[%swap3A_48, %swap3A_49], %broadcast_in_dim3A_47 {strides = array<i32>} : memref<1x128xf32, #tpu.memory_space<vmem>>, vector<1x128xf32>,
    } else {
    }
    %get3A_22 = arith.constant 0 : index
    %get3A_23 = arith.constant 0 : index
    %get3A_24 = vector.load %arg7[%get3A_22, %get3A_23] : memref<1x128xf32, #tpu.memory_space<vmem>>, vector<1x128xf32>
    %reduce_sum3A = arith.constant dense<0.000000e+00> : vector<128xf32>
    %reduce_sum3A_25 = vector.multi_reduction <add>, %add3A_17, %reduce_sum3A [0] : vector<1000x128xf32> to vector<128xf32>
    %broadcast_in_dim3A = vector.shape_cast %reduce_sum3A_25 : vector<128xf32> to vector<1x128xf32>
    %add3A_26 = arith.addf %get3A_24, %broadcast_in_dim3A : vector<1x128xf32>
    %swap3A_27 = arith.constant 0 : index
    %swap3A_28 = arith.constant 0 : index
    %swap3A_29 = vector.load %arg7[%swap3A_27, %swap3A_28] : memref<1x128xf32, #tpu.memory_space<vmem>>, vector<1x128xf32>
    tpu.vector_store %arg7[%swap3A_27, %swap3A_28], %add3A_26 {strides = array<i32>} : memref<1x128xf32, #tpu.memory_space<vmem>>, vector<1x128xf32>,
    %get3A_30 = arith.constant 0 : index
    %get3A_31 = arith.constant 0 : index
    %get3A_32 = vector.load %arg8[%get3A_30, %get3A_31] : memref<1x128xf32, #tpu.memory_space<vmem>>, vector<1x128xf32>
    %mul3A_33 = arith.mulf %add3A_17, %add3A_17 : vector<1000x128xf32>
    %reduce_sum3A_34 = arith.constant dense<0.000000e+00> : vector<128xf32>
    %reduce_sum3A_35 = vector.multi_reduction <add>, %mul3A_33, %reduce_sum3A_34 [0] : vector<1000x128xf32> to vector<128xf32>
    %broadcast_in_dim3A_36 = vector.shape_cast %reduce_sum3A_35 : vector<128xf32> to vector<1x128xf32>
    %add3A_37 = arith.addf %get3A_32, %broadcast_in_dim3A_36 : vector<1x128xf32>
    %swap3A_38 = arith.constant 0 : index
    %swap3A_39 = arith.constant 0 : index
    %swap3A_40 = vector.load %arg8[%swap3A_38, %swap3A_39] : memref<1x128xf32, #tpu.memory_space<vmem>>, vector<1x128xf32>
    tpu.vector_store %arg8[%swap3A_38, %swap3A_39], %add3A_37 {strides = array<i32>} : memref<1x128xf32, #tpu.memory_space<vmem>>, vector<1x128xf32>,
    return
  }
  func.func @transform_0(%arg0: i32) -> (i32, i32) {
    %c0_i32 = arith.constant 0 : i32
    %c0_i32_0 = arith.constant 0 : i32
    return %arg0, %c0_i32 : i32, i32
  }
  func.func @transform_1(%arg0: i32) -> (i32, i32) {
    %c0_i32 = arith.constant 0 : i32
    %c0_i32_0 = arith.constant 0 : i32
    return %arg0, %c0_i32 : i32, i32
  }
  func.func @transform_2(%arg0: i32) -> (i32, i32) {
    %c0_i32 = arith.constant 0 : i32
    %c0_i32_0 = arith.constant 0 : i32
    return %arg0, %c0_i32 : i32, i32
  }
  func.func @transform_3(%arg0: i32) -> (i32, i32) {
    %c0_i32 = arith.constant 0 : i32
    %c0_i32_0 = arith.constant 0 : i32
    return %arg0, %c0_i32 : i32, i32
  }
  func.func @transform_4(%arg0: i32) -> (i32, i32) {
    %c0_i32 = arith.constant 0 : i32
    %c0_i32_0 = arith.constant 0 : i32
    %c0_i32_1 = arith.constant 0 : i32
    return %c0_i32, %c0_i32_0 : i32, i32
  }
  func.func @transform_5(%arg0: i32) -> (i32, i32) {
    %c0_i32 = arith.constant 0 : i32
    %c0_i32_0 = arith.constant 0 : i32
    return %arg0, %c0_i32 : i32, i32
  }
  func.func @transform_6(%arg0: i32) -> (i32, i32) {
    %c0_i32 = arith.constant 0 : i32
    %c0_i32_0 = arith.constant 0 : i32
    %c0_i32_1 = arith.constant 0 : i32
    return %c0_i32, %c0_i32_0 : i32, i32
  }
  func.func @transform_7(%arg0: i32) -> (i32, i32) {
    %c0_i32 = arith.constant 0 : i32
    %c0_i32_0 = arith.constant 0 : i32
    %c0_i32_1 = arith.constant 0 : i32
    return %c0_i32, %c0_i32_0 : i32, i32
  }
}

module attributes {stable_mosaic.version = 14 : i64} {
  func.func @body(%arg0: i32, %arg1: memref<1000x128xf32, #tpu.memory_space<vmem>>, %arg2: memref<1x128xf32, #tpu.memory_space<vmem>>, %arg3: memref<1x128xf32, #tpu.memory_space<vmem>>, %arg4: memref<1x128xf32, #tpu.memory_space<vmem>>, %arg5: memref<1x128xf32, #tpu.memory_space<vmem>>, %arg6: memref<128x128xf32, #tpu.memory_space<vmem>>, %arg7: memref<1000x1xf32, #tpu.memory_space<vmem>>, %arg8: memref<1000x128xf32, #tpu.memory_space<vmem>>) attributes {dimension_semantics = [#tpu.dimension_semantics<arbitrary>], iteration_bounds = array<i64: 10>, scalar_prefetch = 0 : i64, scratch_operands = 0 : i64, tpu.core_type = #tpu.core_type<tc>, window_params = [{transform_indices = @transform_0, window_bounds = array<i64: 1000, 128>}, {pipeline_mode = #tpu.pipeline_mode<synchronous>, transform_indices = @transform_1, window_bounds = array<i64: 1, 128>}, {pipeline_mode = #tpu.pipeline_mode<synchronous>, transform_indices = @transform_2, window_bounds = array<i64: 1, 128>}, {pipeline_mode = #tpu.pipeline_mode<synchronous>, transform_indices = @transform_3, window_bounds = array<i64: 1, 128>}, {pipeline_mode = #tpu.pipeline_mode<synchronous>, transform_indices = @transform_4, window_bounds = array<i64: 1, 128>}, {pipeline_mode = #tpu.pipeline_mode<synchronous>, transform_indices = @transform_5, window_bounds = array<i64: 128, 128>}, {transform_indices = @transform_6, window_bounds = array<i64: 1000, 1>}, {transform_indices = @transform_7, window_bounds = array<i64: 1000, 128>}]} {
    %get3A = arith.constant 0 : index
    %get3A_0 = arith.constant 0 : index
    %get3A_1 = vector.load %arg1[%get3A, %get3A_0] : memref<1000x128xf32, #tpu.memory_space<vmem>>, vector<1000x128xf32>
    %get3A_2 = arith.constant 0 : index
    %get3A_3 = arith.constant 0 : index
    %get3A_4 = vector.load %arg2[%get3A_2, %get3A_3] : memref<1x128xf32, #tpu.memory_space<vmem>>, vector<1x128xf32>
    %get3A_5 = arith.constant 0 : index
    %get3A_6 = arith.constant 0 : index
    %get3A_7 = vector.load %arg3[%get3A_5, %get3A_6] : memref<1x128xf32, #tpu.memory_space<vmem>>, vector<1x128xf32>
    %get3A_8 = arith.constant 0 : index
    %get3A_9 = arith.constant 0 : index
    %get3A_10 = vector.load %arg4[%get3A_8, %get3A_9] : memref<1x128xf32, #tpu.memory_space<vmem>>, vector<1x128xf32>
    %get3A_11 = arith.constant 0 : index
    %get3A_12 = arith.constant 0 : index
    %get3A_13 = vector.load %arg5[%get3A_11, %get3A_12] : memref<1x128xf32, #tpu.memory_space<vmem>>, vector<1x128xf32>
    %mul3A = arith.constant 9.99999974E-5 : f32
    %mul3A_14 = vector.broadcast %mul3A : f32 to vector<1x128xf32>
    %mul3A_15 = arith.mulf %get3A_4, %mul3A_14 : vector<1x128xf32>
    %mul3A_16 = arith.constant 9.99999974E-5 : f32
    %mul3A_17 = vector.broadcast %mul3A_16 : f32 to vector<1x128xf32>
    %mul3A_18 = arith.mulf %get3A_7, %mul3A_17 : vector<1x128xf32>
    %mul3A_19 = arith.mulf %mul3A_15, %mul3A_15 : vector<1x128xf32>
    %sub3A = arith.subf %mul3A_18, %mul3A_19 : vector<1x128xf32>
    %add3A = arith.constant 9.99999974E-6 : f32
    %add3A_20 = vector.broadcast %add3A : f32 to vector<1x128xf32>
    %add3A_21 = arith.addf %sub3A, %add3A_20 : vector<1x128xf32>
    %rsqrt3A = math.rsqrt %add3A_21 : vector<1x128xf32>
    %sub3A_22 = vector.broadcast %mul3A_15 : vector<1x128xf32> to vector<1000x128xf32>
    %sub3A_23 = arith.subf %get3A_1, %sub3A_22 : vector<1000x128xf32>
    %mul3A_24 = vector.broadcast %rsqrt3A : vector<1x128xf32> to vector<1000x128xf32>
    %mul3A_25 = arith.mulf %sub3A_23, %mul3A_24 : vector<1000x128xf32>
    %mul3A_26 = vector.broadcast %get3A_10 : vector<1x128xf32> to vector<1000x128xf32>
    %mul3A_27 = arith.mulf %mul3A_25, %mul3A_26 : vector<1000x128xf32>
    %add3A_28 = vector.broadcast %get3A_13 : vector<1x128xf32> to vector<1000x128xf32>
    %add3A_29 = arith.addf %mul3A_27, %add3A_28 : vector<1000x128xf32>
    %max3A = arith.constant 0.000000e+00 : f32
    %max3A_30 = vector.broadcast %max3A : f32 to vector<1000x128xf32>
    %max3A_31 = arith.maximumf %add3A_29, %max3A_30 : vector<1000x128xf32>
    %get3A_32 = arith.constant 0 : index
    %get3A_33 = arith.constant 0 : index
    %get3A_34 = vector.load %arg6[%get3A_32, %get3A_33] : memref<128x128xf32, #tpu.memory_space<vmem>>, vector<128x128xf32>
    %dot_general3A = arith.constant dense<0.000000e+00> : vector<1000x128xf32>
    %dot_general3A_35 = tpu.matmul %max3A_31, %get3A_34, %dot_general3A {dimension_numbers = #tpu.dot_dimension_numbers<[1], [0], [0], [1], [0, 0, 1, 1], [], []>, transpose_lhs_hint = false} : vector<1000x128xf32>, vector<128x128xf32>, vector<1000x128xf32> -> vector<1000x128xf32>
    %get3A_36 = arith.constant 0 : index
    %get3A_37 = arith.constant 0 : index
    %get3A_38 = vector.load %arg7[%get3A_36, %get3A_37] : memref<1000x1xf32, #tpu.memory_space<vmem>>, vector<1000x1xf32>
    %mul3A_39 = vector.broadcast %get3A_38 : vector<1000x1xf32> to vector<1000x128xf32>
    %mul3A_40 = arith.mulf %dot_general3A_35, %mul3A_39 : vector<1000x128xf32>
    %swap3A = arith.constant 0 : index
    %swap3A_41 = arith.constant 0 : index
    %swap3A_42 = vector.load %arg8[%swap3A, %swap3A_41] : memref<1000x128xf32, #tpu.memory_space<vmem>>, vector<1000x128xf32>
    tpu.vector_store %arg8[%swap3A, %swap3A_41], %mul3A_40 {strides = array<i32>} : memref<1000x128xf32, #tpu.memory_space<vmem>>, vector<1000x128xf32>,
    return
  }
  func.func @transform_0(%arg0: i32) -> (i32, i32) {
    %c0_i32 = arith.constant 0 : i32
    %c0_i32_0 = arith.constant 0 : i32
    return %arg0, %c0_i32 : i32, i32
  }
  func.func @transform_1(%arg0: i32) -> (i32, i32) {
    %c0_i32 = arith.constant 0 : i32
    %c0_i32_0 = arith.constant 0 : i32
    %c0_i32_1 = arith.constant 0 : i32
    return %c0_i32, %c0_i32_0 : i32, i32
  }
  func.func @transform_2(%arg0: i32) -> (i32, i32) {
    %c0_i32 = arith.constant 0 : i32
    %c0_i32_0 = arith.constant 0 : i32
    %c0_i32_1 = arith.constant 0 : i32
    return %c0_i32, %c0_i32_0 : i32, i32
  }
  func.func @transform_3(%arg0: i32) -> (i32, i32) {
    %c0_i32 = arith.constant 0 : i32
    %c0_i32_0 = arith.constant 0 : i32
    %c0_i32_1 = arith.constant 0 : i32
    return %c0_i32, %c0_i32_0 : i32, i32
  }
  func.func @transform_4(%arg0: i32) -> (i32, i32) {
    %c0_i32 = arith.constant 0 : i32
    %c0_i32_0 = arith.constant 0 : i32
    %c0_i32_1 = arith.constant 0 : i32
    return %c0_i32, %c0_i32_0 : i32, i32
  }
  func.func @transform_5(%arg0: i32) -> (i32, i32) {
    %c0_i32 = arith.constant 0 : i32
    %c0_i32_0 = arith.constant 0 : i32
    %c0_i32_1 = arith.constant 0 : i32
    return %c0_i32, %c0_i32_0 : i32, i32
  }
  func.func @transform_6(%arg0: i32) -> (i32, i32) {
    %c0_i32 = arith.constant 0 : i32
    %c0_i32_0 = arith.constant 0 : i32
    return %arg0, %c0_i32 : i32, i32
  }
  func.func @transform_7(%arg0: i32) -> (i32, i32) {
    %c0_i32 = arith.constant 0 : i32
    %c0_i32_0 = arith.constant 0 : i32
    return %arg0, %c0_i32 : i32, i32
  }
}

module attributes {stable_mosaic.version = 14 : i64} {
  func.func @body(%arg0: memref<1x28xf32, #tpu.memory_space<vmem>>, %arg1: memref<28x64xf32, #tpu.memory_space<vmem>>, %arg2: memref<1x64xf32, #tpu.memory_space<vmem>>, %arg3: memref<64x64xf32, #tpu.memory_space<vmem>>, %arg4: memref<1x64xf32, #tpu.memory_space<vmem>>, %arg5: memref<8192x64xf32, #tpu.memory_space<vmem>>, %arg6: memref<8192x1xf32, #tpu.memory_space<vmem>>) attributes {dimension_semantics = [], scalar_prefetch = 0 : i64, scratch_operands = 0 : i64, tpu.core_type = #tpu.core_type<tc>} {
    %get3A = arith.constant 0 : index
    %get3A_0 = arith.constant 0 : index
    %get3A_1 = vector.load %arg0[%get3A, %get3A_0] : memref<1x28xf32, #tpu.memory_space<vmem>>, vector<1x28xf32>
    %get3A_2 = arith.constant 0 : index
    %get3A_3 = arith.constant 0 : index
    %get3A_4 = vector.load %arg1[%get3A_2, %get3A_3] : memref<28x64xf32, #tpu.memory_space<vmem>>, vector<28x64xf32>
    %dot_general3A = arith.constant dense<0.000000e+00> : vector<1x64xf32>
    %dot_general3A_5 = tpu.matmul %get3A_1, %get3A_4, %dot_general3A {dimension_numbers = #tpu.dot_dimension_numbers<[1], [0], [0], [1], [0, 0, 1, 1], [], []>, transpose_lhs_hint = false} : vector<1x28xf32>, vector<28x64xf32>, vector<1x64xf32> -> vector<1x64xf32>
    %get3A_6 = arith.constant 0 : index
    %get3A_7 = arith.constant 0 : index
    %get3A_8 = vector.load %arg2[%get3A_6, %get3A_7] : memref<1x64xf32, #tpu.memory_space<vmem>>, vector<1x64xf32>
    %add3A = arith.addf %dot_general3A_5, %get3A_8 : vector<1x64xf32>
    %max3A = arith.constant 0.000000e+00 : f32
    %max3A_9 = vector.broadcast %max3A : f32 to vector<1x64xf32>
    %max3A_10 = arith.maximumf %add3A, %max3A_9 : vector<1x64xf32>
    %get3A_11 = arith.constant 0 : index
    %get3A_12 = arith.constant 0 : index
    %get3A_13 = vector.load %arg3[%get3A_11, %get3A_12] : memref<64x64xf32, #tpu.memory_space<vmem>>, vector<64x64xf32>
    %dot_general3A_14 = arith.constant dense<0.000000e+00> : vector<1x64xf32>
    %dot_general3A_15 = tpu.matmul %max3A_10, %get3A_13, %dot_general3A_14 {dimension_numbers = #tpu.dot_dimension_numbers<[1], [0], [0], [1], [0, 0, 1, 1], [], []>, transpose_lhs_hint = false} : vector<1x64xf32>, vector<64x64xf32>, vector<1x64xf32> -> vector<1x64xf32>
    %get3A_16 = arith.constant 0 : index
    %get3A_17 = arith.constant 0 : index
    %get3A_18 = vector.load %arg4[%get3A_16, %get3A_17] : memref<1x64xf32, #tpu.memory_space<vmem>>, vector<1x64xf32>
    %add3A_19 = arith.addf %dot_general3A_15, %get3A_18 : vector<1x64xf32>
    %get3A_20 = arith.constant 0 : index
    %get3A_21 = arith.constant 0 : index
    %get3A_22 = vector.load %arg5[%get3A_20, %get3A_21] : memref<8192x64xf32, #tpu.memory_space<vmem>>, vector<8192x64xf32>
    %dot_general3A_23 = arith.constant dense<0.000000e+00> : vector<8192x1xf32>
    %dot_general3A_24 = tpu.matmul %get3A_22, %add3A_19, %dot_general3A_23 {dimension_numbers = #tpu.dot_dimension_numbers<[1], [1], [0], [0], [0, 0, 1, 0], [], []>, transpose_lhs_hint = false} : vector<8192x64xf32>, vector<1x64xf32>, vector<8192x1xf32> -> vector<8192x1xf32>
    %swap3A = arith.constant 0 : index
    %swap3A_25 = arith.constant 0 : index
    %swap3A_26 = vector.load %arg6[%swap3A, %swap3A_25] : memref<8192x1xf32, #tpu.memory_space<vmem>>, vector<8192x1xf32>
    tpu.vector_store %arg6[%swap3A, %swap3A_25], %dot_general3A_24 {strides = array<i32>} : memref<8192x1xf32, #tpu.memory_space<vmem>>, vector<8192x1xf32>,
    return
  }
}

module attributes {stable_mosaic.version = 14 : i64} {
  func.func @body(%arg0: i32, %arg1: memref<1000x128xf32, #tpu.memory_space<vmem>>, %arg2: memref<1x128xf32, #tpu.memory_space<vmem>>, %arg3: memref<1x128xf32, #tpu.memory_space<vmem>>, %arg4: memref<1x128xf32, #tpu.memory_space<vmem>>, %arg5: memref<1x128xf32, #tpu.memory_space<vmem>>, %arg6: memref<1x1x1000xi32, #tpu.memory_space<vmem>>, %arg7: memref<256x128xf32, #tpu.memory_space<vmem>>, %arg8: memref<256x1xf32, #tpu.memory_space<vmem>>) attributes {dimension_semantics = [#tpu.dimension_semantics<arbitrary>], iteration_bounds = array<i64: 10>, scalar_prefetch = 0 : i64, scratch_operands = 0 : i64, tpu.core_type = #tpu.core_type<tc>, window_params = [{transform_indices = @transform_0, window_bounds = array<i64: 1000, 128>}, {pipeline_mode = #tpu.pipeline_mode<synchronous>, transform_indices = @transform_1, window_bounds = array<i64: 1, 128>}, {pipeline_mode = #tpu.pipeline_mode<synchronous>, transform_indices = @transform_2, window_bounds = array<i64: 1, 128>}, {pipeline_mode = #tpu.pipeline_mode<synchronous>, transform_indices = @transform_3, window_bounds = array<i64: 1, 128>}, {pipeline_mode = #tpu.pipeline_mode<synchronous>, transform_indices = @transform_4, window_bounds = array<i64: 1, 128>}, {transform_indices = @transform_5, window_bounds = array<i64: 1, 1, 1000>}, {pipeline_mode = #tpu.pipeline_mode<synchronous>, transform_indices = @transform_6, window_bounds = array<i64: 256, 128>}, {pipeline_mode = #tpu.pipeline_mode<synchronous>, transform_indices = @transform_7, window_bounds = array<i64: 256, 1>}]} {
    %get3A = arith.constant 0 : index
    %get3A_0 = arith.constant 0 : index
    %get3A_1 = vector.load %arg1[%get3A, %get3A_0] : memref<1000x128xf32, #tpu.memory_space<vmem>>, vector<1000x128xf32>
    %get3A_2 = arith.constant 0 : index
    %get3A_3 = arith.constant 0 : index
    %get3A_4 = vector.load %arg2[%get3A_2, %get3A_3] : memref<1x128xf32, #tpu.memory_space<vmem>>, vector<1x128xf32>
    %get3A_5 = arith.constant 0 : index
    %get3A_6 = arith.constant 0 : index
    %get3A_7 = vector.load %arg3[%get3A_5, %get3A_6] : memref<1x128xf32, #tpu.memory_space<vmem>>, vector<1x128xf32>
    %get3A_8 = arith.constant 0 : index
    %get3A_9 = arith.constant 0 : index
    %get3A_10 = vector.load %arg4[%get3A_8, %get3A_9] : memref<1x128xf32, #tpu.memory_space<vmem>>, vector<1x128xf32>
    %get3A_11 = arith.constant 0 : index
    %get3A_12 = arith.constant 0 : index
    %get3A_13 = vector.load %arg5[%get3A_11, %get3A_12] : memref<1x128xf32, #tpu.memory_space<vmem>>, vector<1x128xf32>
    %mul3A = arith.constant 9.99999974E-5 : f32
    %mul3A_14 = vector.broadcast %mul3A : f32 to vector<1x128xf32>
    %mul3A_15 = arith.mulf %get3A_4, %mul3A_14 : vector<1x128xf32>
    %mul3A_16 = arith.constant 9.99999974E-5 : f32
    %mul3A_17 = vector.broadcast %mul3A_16 : f32 to vector<1x128xf32>
    %mul3A_18 = arith.mulf %get3A_7, %mul3A_17 : vector<1x128xf32>
    %mul3A_19 = arith.mulf %mul3A_15, %mul3A_15 : vector<1x128xf32>
    %sub3A = arith.subf %mul3A_18, %mul3A_19 : vector<1x128xf32>
    %add3A = arith.constant 9.99999974E-6 : f32
    %add3A_20 = vector.broadcast %add3A : f32 to vector<1x128xf32>
    %add3A_21 = arith.addf %sub3A, %add3A_20 : vector<1x128xf32>
    %rsqrt3A = math.rsqrt %add3A_21 : vector<1x128xf32>
    %sub3A_22 = vector.broadcast %mul3A_15 : vector<1x128xf32> to vector<1000x128xf32>
    %sub3A_23 = arith.subf %get3A_1, %sub3A_22 : vector<1000x128xf32>
    %mul3A_24 = vector.broadcast %rsqrt3A : vector<1x128xf32> to vector<1000x128xf32>
    %mul3A_25 = arith.mulf %sub3A_23, %mul3A_24 : vector<1000x128xf32>
    %mul3A_26 = vector.broadcast %get3A_10 : vector<1x128xf32> to vector<1000x128xf32>
    %mul3A_27 = arith.mulf %mul3A_25, %mul3A_26 : vector<1000x128xf32>
    %add3A_28 = vector.broadcast %get3A_13 : vector<1x128xf32> to vector<1000x128xf32>
    %add3A_29 = arith.addf %mul3A_27, %add3A_28 : vector<1000x128xf32>
    %max3A = arith.constant 0.000000e+00 : f32
    %max3A_30 = vector.broadcast %max3A : f32 to vector<1000x128xf32>
    %max3A_31 = arith.maximumf %add3A_29, %max3A_30 : vector<1000x128xf32>
    %get3A_32 = arith.constant 0 : index
    %get3A_33 = arith.constant 0 : index
    %get3A_34 = arith.constant 0 : index
    %get3A_35 = vector.load %arg6[%get3A_32, %get3A_33, %get3A_34] : memref<1x1x1000xi32, #tpu.memory_space<vmem>>, vector<1x1x1000xi32>
    %reshape3A = vector.shape_cast %get3A_35 : vector<1x1x1000xi32> to vector<1x1000xi32>
    %iota3A = tpu.iota {dimensions = array<i32: 0>} : vector<256x1000xi32>
    %eq3A = vector.broadcast %reshape3A : vector<1x1000xi32> to vector<256x1000xi32>
    %eq3A_36 = arith.cmpi eq, %iota3A, %eq3A : vector<256x1000xi32>
    %convert_element_type3A = arith.extui %eq3A_36 : vector<256x1000xi1> to vector<256x1000xi32>
    %convert_element_type3A_37 = arith.sitofp %convert_element_type3A : vector<256x1000xi32> to vector<256x1000xf32>
    %eq3A_38 = arith.constant 0 : i32
    %eq3A_39 = arith.cmpi eq, %arg0, %eq3A_38 : i32
    %convert_element_type3A_40 = arith.extui %eq3A_39 : i1 to i32
    %cond3A = arith.constant 0 : i32
    %cond3A_41 = arith.cmpi ne, %convert_element_type3A_40, %cond3A : i32
    scf.if %cond3A_41 {
      %broadcast_in_dim3A_57 = arith.constant 0.000000e+00 : f32
      %broadcast_in_dim3A_58 = vector.broadcast %broadcast_in_dim3A_57 : f32 to vector<256x128xf32>
      %swap3A_59 = arith.constant 0 : index
      %swap3A_60 = arith.constant 0 : index
      %swap3A_61 = vector.load %arg7[%swap3A_59, %swap3A_60] : memref<256x128xf32, #tpu.memory_space<vmem>>, vector<256x128xf32>
      tpu.vector_store %arg7[%swap3A_59, %swap3A_60], %broadcast_in_dim3A_58 {strides = array<i32>} : memref<256x128xf32, #tpu.memory_space<vmem>>, vector<256x128xf32>,
      %broadcast_in_dim3A_62 = arith.constant 0.000000e+00 : f32
      %broadcast_in_dim3A_63 = vector.broadcast %broadcast_in_dim3A_62 : f32 to vector<256x1xf32>
      %swap3A_64 = arith.constant 0 : index
      %swap3A_65 = arith.constant 0 : index
      %swap3A_66 = vector.load %arg8[%swap3A_64, %swap3A_65] : memref<256x1xf32, #tpu.memory_space<vmem>>, vector<256x1xf32>
      tpu.vector_store %arg8[%swap3A_64, %swap3A_65], %broadcast_in_dim3A_63 {strides = array<i32>} : memref<256x1xf32, #tpu.memory_space<vmem>>, vector<256x1xf32>,
    } else {
    }
    %get3A_42 = arith.constant 0 : index
    %get3A_43 = arith.constant 0 : index
    %get3A_44 = vector.load %arg7[%get3A_42, %get3A_43] : memref<256x128xf32, #tpu.memory_space<vmem>>, vector<256x128xf32>
    %dot_general3A = arith.constant dense<0.000000e+00> : vector<256x128xf32>
    %dot_general3A_45 = tpu.matmul %convert_element_type3A_37, %max3A_31, %dot_general3A {dimension_numbers = #tpu.dot_dimension_numbers<[1], [0], [0], [1], [0, 0, 1, 1], [], []>, transpose_lhs_hint = false} : vector<256x1000xf32>, vector<1000x128xf32>, vector<256x128xf32> -> vector<256x128xf32>
    %add3A_46 = arith.addf %get3A_44, %dot_general3A_45 : vector<256x128xf32>
    %swap3A = arith.constant 0 : index
    %swap3A_47 = arith.constant 0 : index
    %swap3A_48 = vector.load %arg7[%swap3A, %swap3A_47] : memref<256x128xf32, #tpu.memory_space<vmem>>, vector<256x128xf32>
    tpu.vector_store %arg7[%swap3A, %swap3A_47], %add3A_46 {strides = array<i32>} : memref<256x128xf32, #tpu.memory_space<vmem>>, vector<256x128xf32>,
    %get3A_49 = arith.constant 0 : index
    %get3A_50 = arith.constant 0 : index
    %get3A_51 = vector.load %arg8[%get3A_49, %get3A_50] : memref<256x1xf32, #tpu.memory_space<vmem>>, vector<256x1xf32>
    %reduce_sum3A = arith.constant dense<0.000000e+00> : vector<256xf32>
    %reduce_sum3A_52 = vector.multi_reduction <add>, %convert_element_type3A_37, %reduce_sum3A [1] : vector<256x1000xf32> to vector<256xf32>
    %broadcast_in_dim3A = vector.shape_cast %reduce_sum3A_52 : vector<256xf32> to vector<256x1xf32>
    %add3A_53 = arith.addf %get3A_51, %broadcast_in_dim3A : vector<256x1xf32>
    %swap3A_54 = arith.constant 0 : index
    %swap3A_55 = arith.constant 0 : index
    %swap3A_56 = vector.load %arg8[%swap3A_54, %swap3A_55] : memref<256x1xf32, #tpu.memory_space<vmem>>, vector<256x1xf32>
    tpu.vector_store %arg8[%swap3A_54, %swap3A_55], %add3A_53 {strides = array<i32>} : memref<256x1xf32, #tpu.memory_space<vmem>>, vector<256x1xf32>,
    return
  }
  func.func @transform_0(%arg0: i32) -> (i32, i32) {
    %c0_i32 = arith.constant 0 : i32
    %c0_i32_0 = arith.constant 0 : i32
    return %arg0, %c0_i32 : i32, i32
  }
  func.func @transform_1(%arg0: i32) -> (i32, i32) {
    %c0_i32 = arith.constant 0 : i32
    %c0_i32_0 = arith.constant 0 : i32
    %c0_i32_1 = arith.constant 0 : i32
    return %c0_i32, %c0_i32_0 : i32, i32
  }
  func.func @transform_2(%arg0: i32) -> (i32, i32) {
    %c0_i32 = arith.constant 0 : i32
    %c0_i32_0 = arith.constant 0 : i32
    %c0_i32_1 = arith.constant 0 : i32
    return %c0_i32, %c0_i32_0 : i32, i32
  }
  func.func @transform_3(%arg0: i32) -> (i32, i32) {
    %c0_i32 = arith.constant 0 : i32
    %c0_i32_0 = arith.constant 0 : i32
    %c0_i32_1 = arith.constant 0 : i32
    return %c0_i32, %c0_i32_0 : i32, i32
  }
  func.func @transform_4(%arg0: i32) -> (i32, i32) {
    %c0_i32 = arith.constant 0 : i32
    %c0_i32_0 = arith.constant 0 : i32
    %c0_i32_1 = arith.constant 0 : i32
    return %c0_i32, %c0_i32_0 : i32, i32
  }
  func.func @transform_5(%arg0: i32) -> (i32, i32, i32) {
    %c0_i32 = arith.constant 0 : i32
    %c0_i32_0 = arith.constant 0 : i32
    %c0_i32_1 = arith.constant 0 : i32
    return %arg0, %c0_i32, %c0_i32_0 : i32, i32, i32
  }
  func.func @transform_6(%arg0: i32) -> (i32, i32) {
    %c0_i32 = arith.constant 0 : i32
    %c0_i32_0 = arith.constant 0 : i32
    %c0_i32_1 = arith.constant 0 : i32
    return %c0_i32, %c0_i32_0 : i32, i32
  }
  func.func @transform_7(%arg0: i32) -> (i32, i32) {
    %c0_i32 = arith.constant 0 : i32
    %c0_i32_0 = arith.constant 0 : i32
    %c0_i32_1 = arith.constant 0 : i32
    return %c0_i32, %c0_i32_0 : i32, i32
  }
}

module attributes {stable_mosaic.version = 14 : i64} {
  func.func @body(%arg0: memref<256x128xf32, #tpu.memory_space<vmem>>, %arg1: memref<256x1xf32, #tpu.memory_space<vmem>>, %arg2: memref<128x64xf32, #tpu.memory_space<vmem>>, %arg3: memref<1x64xf32, #tpu.memory_space<vmem>>, %arg4: memref<64x32xf32, #tpu.memory_space<vmem>>, %arg5: memref<1x32xf32, #tpu.memory_space<vmem>>, %arg6: memref<32x1xf32, #tpu.memory_space<vmem>>, %arg7: memref<1x1xf32, #tpu.memory_space<vmem>>, %arg8: memref<256x1xf32, #tpu.memory_space<vmem>>) attributes {dimension_semantics = [], scalar_prefetch = 0 : i64, scratch_operands = 0 : i64, tpu.core_type = #tpu.core_type<tc>} {
    %get3A = arith.constant 0 : index
    %get3A_0 = arith.constant 0 : index
    %get3A_1 = vector.load %arg0[%get3A, %get3A_0] : memref<256x128xf32, #tpu.memory_space<vmem>>, vector<256x128xf32>
    %get3A_2 = arith.constant 0 : index
    %get3A_3 = arith.constant 0 : index
    %get3A_4 = vector.load %arg1[%get3A_2, %get3A_3] : memref<256x1xf32, #tpu.memory_space<vmem>>, vector<256x1xf32>
    %max3A = arith.constant 1.000000e+00 : f32
    %max3A_5 = vector.broadcast %max3A : f32 to vector<256x1xf32>
    %max3A_6 = arith.maximumf %get3A_4, %max3A_5 : vector<256x1xf32>
    %div3A = vector.broadcast %max3A_6 : vector<256x1xf32> to vector<256x128xf32>
    %div3A_7 = arith.divf %get3A_1, %div3A : vector<256x128xf32>
    %get3A_8 = arith.constant 0 : index
    %get3A_9 = arith.constant 0 : index
    %get3A_10 = vector.load %arg2[%get3A_8, %get3A_9] : memref<128x64xf32, #tpu.memory_space<vmem>>, vector<128x64xf32>
    %dot_general3A = arith.constant dense<0.000000e+00> : vector<256x64xf32>
    %dot_general3A_11 = tpu.matmul %div3A_7, %get3A_10, %dot_general3A {dimension_numbers = #tpu.dot_dimension_numbers<[1], [0], [0], [1], [0, 0, 1, 1], [], []>, transpose_lhs_hint = false} : vector<256x128xf32>, vector<128x64xf32>, vector<256x64xf32> -> vector<256x64xf32>
    %get3A_12 = arith.constant 0 : index
    %get3A_13 = arith.constant 0 : index
    %get3A_14 = vector.load %arg3[%get3A_12, %get3A_13] : memref<1x64xf32, #tpu.memory_space<vmem>>, vector<1x64xf32>
    %add3A = vector.broadcast %get3A_14 : vector<1x64xf32> to vector<256x64xf32>
    %add3A_15 = arith.addf %dot_general3A_11, %add3A : vector<256x64xf32>
    %get3A_16 = arith.constant 0 : index
    %get3A_17 = arith.constant 0 : index
    %get3A_18 = vector.load %arg4[%get3A_16, %get3A_17] : memref<64x32xf32, #tpu.memory_space<vmem>>, vector<64x32xf32>
    %dot_general3A_19 = arith.constant dense<0.000000e+00> : vector<256x32xf32>
    %dot_general3A_20 = tpu.matmul %add3A_15, %get3A_18, %dot_general3A_19 {dimension_numbers = #tpu.dot_dimension_numbers<[1], [0], [0], [1], [0, 0, 1, 1], [], []>, transpose_lhs_hint = false} : vector<256x64xf32>, vector<64x32xf32>, vector<256x32xf32> -> vector<256x32xf32>
    %get3A_21 = arith.constant 0 : index
    %get3A_22 = arith.constant 0 : index
    %get3A_23 = vector.load %arg5[%get3A_21, %get3A_22] : memref<1x32xf32, #tpu.memory_space<vmem>>, vector<1x32xf32>
    %add3A_24 = vector.broadcast %get3A_23 : vector<1x32xf32> to vector<256x32xf32>
    %add3A_25 = arith.addf %dot_general3A_20, %add3A_24 : vector<256x32xf32>
    %max3A_26 = arith.constant 0.000000e+00 : f32
    %max3A_27 = vector.broadcast %max3A_26 : f32 to vector<256x32xf32>
    %max3A_28 = arith.maximumf %add3A_25, %max3A_27 : vector<256x32xf32>
    %get3A_29 = arith.constant 0 : index
    %get3A_30 = arith.constant 0 : index
    %get3A_31 = vector.load %arg6[%get3A_29, %get3A_30] : memref<32x1xf32, #tpu.memory_space<vmem>>, vector<32x1xf32>
    %dot_general3A_32 = arith.constant dense<0.000000e+00> : vector<256x1xf32>
    %dot_general3A_33 = tpu.matmul %max3A_28, %get3A_31, %dot_general3A_32 {dimension_numbers = #tpu.dot_dimension_numbers<[1], [0], [0], [1], [0, 0, 1, 1], [], []>, transpose_lhs_hint = false} : vector<256x32xf32>, vector<32x1xf32>, vector<256x1xf32> -> vector<256x1xf32>
    %get3A_34 = arith.constant 0 : index
    %get3A_35 = arith.constant 0 : index
    %get3A_36 = vector.load %arg7[%get3A_34, %get3A_35] : memref<1x1xf32, #tpu.memory_space<vmem>>, vector<1x1xf32>
    %add3A_37 = vector.broadcast %get3A_36 : vector<1x1xf32> to vector<256x1xf32>
    %add3A_38 = arith.addf %dot_general3A_33, %add3A_37 : vector<256x1xf32>
    %swap3A = arith.constant 0 : index
    %swap3A_39 = arith.constant 0 : index
    %swap3A_40 = vector.load %arg8[%swap3A, %swap3A_39] : memref<256x1xf32, #tpu.memory_space<vmem>>, vector<256x1xf32>
    tpu.vector_store %arg8[%swap3A, %swap3A_39], %add3A_38 {strides = array<i32>} : memref<256x1xf32, #tpu.memory_space<vmem>>, vector<256x1xf32>,
    return
  }
}

</mosaic_0001>

<sc_bundles>
// kernel: kernel.15.cloned.1.call-start
scs
__scs_entry_jumppad:
0x0: {  	(pc) =	sbr.rel $0x88, $3  }
0x1: {  	(tag) =	ssettag $0x0;
	lr =	simm.s32 $0x1  }
0x2: {  	[smem:$0x3F87] =	sst lr;
	_ =	strace $0xD0000000  }
0x3: {  	_ = 	snop  }
0x4: {  	_ = 	snop  }
0x5: {  	_ = 	snop  }
0x6: {  	_ = 	snop  }
0x7: {  	_ = 	snop  }
__scs_overlays_trampoline_lowered:
0x8: {  	[smem:$0x3F96] =	sst s0  }
0x9: {  	[smem:$0x3F97] =	sst s1  }
0xa: {  	[smem:$0x3F98] =	sst s2  }
0xb: {  	[smem:$0x3F99] =	sst s3  }
0xc: {  	[smem:$0x3F9A] =	sst s4  }
0xd: {  	[smem:$0x3F9B] =	sst s5  }
0xe: {  	[smem:$0x3F9C] =	sst s6  }
0xf: {  	[smem:$0x3F9D] =	sst s7  }
0x10: {  	[smem:$0x3F9E] =	sst s8  }
0x11: {  	[smem:$0x3F9F] =	sst s9;
	s0 =	simm.s32 @!p0 $0x0  }
0x12: {  	s1 =	sld [smem:$0x3F85];
	s0 =	simm.s32 @p0 $0x1  }
0x13: {  	[smem:$0x3FA0] =	sst s0;
	s0 =	simm.s32 @!p1 $0x0  }
0x14: {  	s2 =	sld [smem:$0x3F84];
	s0 =	simm.s32 @p1 $0x1  }
0x15: {  	[smem:$0x3FA1] =	sst s0;
	s0 =	simm.s32 @!p2 $0x0  }
0x16: {  	s3 =	sld [smem:$0x3FDB];
	s0 =	simm.s32 @p2 $0x1  }
0x17: {  	s4 =	simm.s32 $0x1BF5;
	[smem:$0x3FA3] =	sst s0  }
0x18: {  	s0 =	sld [smem:$0x3F86];
	_ =	swait.ge [sflag:s4], $0x0  }
0x19: {  	s7 =	sld [smem:$0x3F87]  }
0x1a: {  	s8 =	sadd.s32 $0xFFFFE003, lr  }
0x1b: {  	s9 =	sadd.s32 $0xFFFFFEF7, lr;
	s5 =	simm.s32 $0xFFFFFFFF;
	p2 =	slt.u32 s8, $0xFFFFF086  }
0x1c: {  	p1 =	slt.u32 s9, $0xF7A;
	s5 =	simm.s32 @!p2 $0x0  }
0x1d: {  	s5 =	simm.s32 @p1 $0x1;
	p0 =	seq.s32 s7, s2  }
0x1e: {  	s7 =	smul.u32 @!p0 $0xF7A, s2;
	p2 =	seq.s32 @!p0 s5, $0x0  }
0x1f: {  	s9 =	smul.u32 $0xF7A, s1;
	s8 =	simm.s32 @!p0 $0x1BF5;
	p2 =	por !p2, p0  }
0x20: {  	[sflag:s8] =	ssyncset.s32 @!p0 $0xFFFFF086;
	s6 =	sadd.s32 @!p0 s3, s7;
	s7 =	simm.s32 @!p0 $0x108  }
0x21: {  	s3 =	sadd.s32 s3, s9;
	s6 =	sadd.s32 @!p0 $0x88, s6;
	s7 =	simm.s32 @p2 $0x1082  }
0x22: {  	[simem:s7], [sflag:s8] =	dma.local @!p0 [hbm:s6], $0xF7A  }
0x23: {  	s9 =	sor.u32 $0xD0000000, s2;
	s6 =	simm.s32 $0x108;
	_ =	swait.ge @!p0 [sflag:s8], $0x0  }
0x24: {  	s3 =	sadd.s32 $0x88, s3;
	s6 =	simm.s32 @!p1 $0x1082;
	[sflag:s4] =	ssyncset.s32 $0xFFFFF086  }
0x25: {  	[simem:s6], [sflag:s4] =	dma.local [hbm:s3], $0xF7A  }
0x26: {  	[smem:$0x3F87] =	sst s1;
	(tag) =	ssettag s2;
	_ =	strace s9  }
0x27: {  	s1 =	sld [smem:$0x3F97]  }
0x28: {  	s2 =	sld [smem:$0x3F98]  }
0x29: {  	s4 =	sld [smem:$0x3F9A]  }
0x2a: {  	p0 =	seq.s32 s5, $0x0;
	s5 =	sld [smem:$0x3F9B]  }
0x2b: {  	s6 =	sld [smem:$0x3F9C]  }
0x2c: {  	s7 =	sld [smem:$0x3F9D]  }
0x2d: {  	s3 =	simm.s32 $0x108;
	s8 =	sld [smem:$0x3F9E]  }
0x2e: {  	s3 =	simm.s32 @!p0 $0x1082;
	s9 =	sld [smem:$0x3F9F]  }
0x2f: {  	lr =	sadd.s32 s0, s3;
	s0 =	sld [smem:$0x3F96]  }
0x30: {  	s3 =	sld [smem:$0x3F99]  }
0x31: {  	[smem:$0x3FA2] =	sst s10  }
0x32: {  	s10 =	sld [smem:$0x3FA0];
	_ =	sdelay $0x3  }
0x33: {  	p0 =	seq.s32 s10, $0x1;
	s10 =	sld [smem:$0x3FA2];
	_ =	sdelay $0x3  }
0x34: {  	[smem:$0x3FA2] =	sst s10  }
0x35: {  	s10 =	sld [smem:$0x3FA1];
	_ =	sdelay $0x3  }
0x36: {  	p1 =	seq.s32 s10, $0x1;
	s10 =	sld [smem:$0x3FA2];
	_ =	sdelay $0x3  }
0x37: {  	[smem:$0x3FA2] =	sst s10  }
0x38: {  	s10 =	sld [smem:$0x3FA3]  }
0x39: {  	_ = 	snop;
	(pc) =	sbr.ind lr, $3  }
0x3a: {  	_ = 	snop  }
0x3b: {  	_ = 	snop  }
0x3c: {  	p2 =	seq.s32 s10, $0x1;
	s10 =	sld [smem:$0x3FA2]  }
0x3d: {  	_ =	shalt  }
0x3e: {  	_ =	shalt  }
0x3f: {  	_ =	shalt  }
0x40: {  	_ =	shalt  }
0x41: {  	_ =	shalt  }
0x42: {  	_ =	shalt  }
0x43: {  	_ =	shalt  }
0x44: {  	_ =	shalt  }
0x45: {  	_ =	shalt  }
0x46: {  	_ =	shalt  }
0x47: {  	_ =	shalt  }
0x48: {  	_ =	shalt  }
0x49: {  	_ =	shalt  }
0x4a: {  	_ =	shalt  }
0x4b: {  	_ =	shalt  }
0x4c: {  	_ =	shalt  }
0x4d: {  	_ =	shalt  }
0x4e: {  	_ =	shalt  }
0x4f: {  	_ =	shalt  }
0x50: {  	_ =	shalt  }
0x51: {  	_ =	shalt  }
0x52: {  	_ =	shalt  }
0x53: {  	_ =	shalt  }
0x54: {  	_ =	shalt  }
0x55: {  	_ =	shalt  }
0x56: {  	_ =	shalt  }
0x57: {  	_ =	shalt  }
0x58: {  	_ =	shalt  }
0x59: {  	_ =	shalt  }
0x5a: {  	_ =	shalt  }
0x5b: {  	_ =	shalt  }
0x5c: {  	_ =	shalt  }
0x5d: {  	_ =	shalt  }
0x5e: {  	_ =	shalt  }
0x5f: {  	_ =	shalt  }
0x60: {  	_ =	shalt  }
0x61: {  	_ =	shalt  }
0x62: {  	_ =	shalt  }
0x63: {  	_ =	shalt  }
0x64: {  	_ =	shalt  }
0x65: {  	_ =	shalt  }
0x66: {  	_ =	shalt  }
0x67: {  	_ =	shalt  }
0x68: {  	_ =	shalt  }
0x69: {  	_ =	shalt  }
0x6a: {  	_ =	shalt  }
0x6b: {  	_ =	shalt  }
0x6c: {  	_ =	shalt  }
0x6d: {  	_ =	shalt  }
0x6e: {  	_ =	shalt  }
0x6f: {  	_ =	shalt  }
0x70: {  	_ =	shalt  }
0x71: {  	_ =	shalt  }
0x72: {  	_ =	shalt  }
0x73: {  	_ =	shalt  }
0x74: {  	_ =	shalt  }
0x75: {  	_ =	shalt  }
0x76: {  	_ =	shalt  }
0x77: {  	_ =	shalt  }
0x78: {  	_ =	shalt  }
0x79: {  	_ =	shalt  }
0x7a: {  	_ =	shalt  }
0x7b: {  	_ =	shalt  }
0x7c: {  	_ =	shalt  }
0x7d: {  	_ =	shalt  }
0x7e: {  	_ =	shalt  }
0x7f: {  	_ =	shalt  }
0x80: {  	_ =	shalt  }
0x81: {  	_ =	shalt  }
0x82: {  	_ =	shalt  }
0x83: {  	_ =	shalt  }
0x84: {  	_ =	shalt  }
0x85: {  	_ =	shalt  }
0x86: {  	_ =	shalt  }
0x87: {  	_ =	shalt  }
.Lfunc_end0:
.L_simem_size_0:
called_computation_lowered:
.L_overlay_start_0:
0x88: {  	s2 =	sld [smem:$0x3FD9]  }
0x89: {  	s3 =	sld [smem:$0x3FFE];
	_ =	sdelay $0x1  }
0x8a: {  	s1 =	srdreg.scid  }
0x8b: {  	s0 =	sand.u32 $0x1, s1  }
0x8c: {  	s16 =	sshll.u32 s0, $0xA;
	s2 =	sadd.s32 s3, s2  }
0x8d: {  	s2 =	sadd.s32 s2, s16  }
0x8e: {  	[smem:$0x3FAE] =	sst s2  }
0x8f: {  	_ = 	snop  }
0x90: {  	(tm) =	ssettm $0x1  }
0x91: {  	s17 =	sld [smem:$0x3FFB];
	_ =	sdelay $0x3  }
0x92: {  	_ =	strace s17  }
0x93: {  	s2 =	sld [smem:$0x3FFC];
	_ =	sdelay $0x3  }
0x94: {  	_ =	strace s2  }
0x95: {  	s2 =	sld [smem:$0x3FFD];
	_ =	sdelay $0x3  }
0x96: {  	_ =	strace s2  }
0x97: {  	_ =	strace $0x8FFFFFFF  }
0x98: {  	s18 =	sld [smem:$0x3FDB];
	_ =	sdelay $0x1  }
0x99: {  	s19 =	simm.s32 $_scs_section_size  }
0x9a: {  	s4 =	simm.s32 $_size__tile_overlayer_lowered;
	s5 =	simm.s32 $_tile_overlayer_lowered  }
0x9b: {  	s22 =	simm.s32 $0x1BFF;
	s21 =	sshll.u32 s5, $0x1;
	s2 =	sadd.s32 s19, s18  }
0x9c: {  	s6 =	simm.s32 $0x0;
	s20 =	sshll.u32 s4, $0x1;
	s4 =	sadd.s32 s21, s2  }
0x9d: {  	[timem:s6], [sflag:s22] =	dma.local [hbm:s4], s20  }
0x9e: {  	_ =	swait.ge [sflag:s22], s20  }
0x9f: {  	s3 =	ssub.s32 $0x0, s20;
	[sflag:s22] =	ssyncset.done $0x0  }
0xa0: {  	[sflag:s22] =	ssyncadd.s32 s3;
	_ =	sdelay $0x1  }
0xa1: {  	s23 =	simm.s32 $0x1B8B  }
0xa2: {  	_ =	swait.ge [sflag:s23], $0x1  }
0xa3: {  	[sflag:s23] =	ssyncset.done $0x0  }
0xa4: {  	s25 =	simm.s32 $0x1B8E;
	s24 =	sld [smem:$0x3FFE];
	[sflag:s23] =	ssyncadd.s32 $0xFFFFFFFF  }
0xa5: {  	s26 =	simm.s32 $execute0_lowered;
	[smem:$0x3FD2] =	sst s25  }
0xa6: {  	s4 =	sshll.u32 s26, $0x1;
	_ =	strace $0x80000046;
	[dreg:$0x1] =	wrdreg $0xFFFFFFFF  }
0xa7: {  	s28 =	simm.s32 $_size_execute0_lowered;
	s2 =	sadd.s32 s2, s4;
	[dreg:$0x0] =	wrdreg $0x0  }
0xa8: {  	s4 =	sshll.u32 s28, $0x1;
	[dreg:$0x2] =	wrdreg s2  }
0xa9: {  	[dreg:$0x3] =	wrdreg s4  }
0xaa: {  	[dreg:$0x4] =	wrdreg $0xC0  }
0xab: {  	_ =	task [dreg:s6], $0x5FFFF  }
0xac: {  	[dreg:$0x1] =	wrdreg $0xFFFFFFFF  }
0xad: {  	[dreg:$0x0] =	wrdreg $0x60  }
0xae: {  	[dreg:$0x2] =	wrdreg s24  }
0xaf: {  	[dreg:$0x3] =	wrdreg $0x68000  }
0xb0: {  	[dreg:$0x4] =	wrdreg $0x9  }
0xb1: {  	_ =	task.clear_ibuf [dreg:s6], $0x5FFFF;
	_ =	strace $0x90000046  }
0xb2: {  	s29 =	simm.s32 $0x9;
	_ =	strace $0x80000048  }
0xb3: {  	_ =	swait.ge [sflag:s29], $0x1  }
0xb4: {  	[sflag:s29] =	ssyncadd.s32 $0xFFFFFFFF  }
0xb5: {  	_ =	strace $0x90000048  }
0xb6: {  	_ =	sfence  }
0xb7: {  	s30 =	sld [smem:$0x0];
	_ =	sdelay $0x2  }
0xb8: {  	s31 =	sshll.u32 s1, $0xD;
	s1 =	sshrl.u32 s1, $0x2  }
0xb9: {  	s3 =	sand.u32 $0x4000, s31;
	s1 =	sadd.s32 s1, s30  }
0xba: {  	s0 =	sor.u32 s3, s0;
	s1 =	sshll.u32 s1, $0x11  }
0xbb: {  	s0 =	sor.u32 s1, s0  }
0xbc: {  	s0 =	sadd.s32 $0x8F2B, s0  }
0xbd: {  	[sflag:s0] =	ssyncadd.remote.s32 $0x1  }
0xbe: {  	_ =	sfence.sel $0xFFFF  }
0xbf: {  	[dreg:$0x0] =	wrdreg $0xFFFFFFFF;
	(pc) =	sbr.abs _section_cstart, $3  }
0xc0: {  	[dreg:$0x1] =	wrdreg $0xFFFFFFFF  }
0xc1: {  	_ =	task.clear_ibuf [dreg:s6], $0x2FFFF;
	_ =	strace $0x9FFFFFFF  }
0xc2: {  	(tm) =	ssettm $0x7FFFFFFF  }
0xc3: {  	_ =	shalt  }
tec
execute0_lowered:
.L_overlay_start_1:
0x0: {  	(tag) =	ssettag $0x1  }
0x1: {  	s7 =	rddreg [dreg:$0x0]  }
0x2: {  	s0 =	srdreg.scid;
	s2 =	rddreg [dreg:$0x1]  }
0x3: {  	s3 =	simm.s32 $0x0;
	s12 =	simm.s32 $0x2800;
	s6 =	sand.u32 $0x1, s0  }
0x4: {  	s13 =	simm.s32 $0x80;
	s0 =	stileid.u32;
	s5 =	smul.u32 $0x13C000, s6  }
0x5: {  	s14 =	simm.s32 $0x0;
	[smem:$0x7FF] =	sst s3;
	s8 =	smul.u32 $0x13C00, s0  }
0x6: {  	s1 =	sshll.u32 s6, $0x4;
	s10 =	smul.u32 $0x4F000, s0;
	s6 =	ssub.s32 $0x2, s6  }
0x7: {  	s31 =	sshll.u32 s0, $0x6;
	s1 =	sor.u32 s0, s1;
	s30 =	sshrl.u32 s6, $0x1  }
0x8: {  	s4 =	smul.u32 $0x500, s1;
	s1 =	rddreg [dreg:$0x2];
	_ =	strace $0x80000047  }
0x9: {  	s8 =	sadd.s32 s8, s5;
	s5 =	sadd.s32 $0x11400, s7;
	s10 =	sshrl.u32 s10, $0x2  }
0xa: {  	s11 =	ssub.s32 s6, s30;
	s6 =	sor.u32 $0x1C01, s31;
	s8 =	sshrl.u32 s8, $0x3  }
0xb: {  	s10 =	sadd.s32 s10, s2;
	s9 =	sadd.s32 s4, s7;
	s4 =	sadd.s32 $0x13C00, s7  }
0xc: {  	s8 =	sadd.s32 s8, s7;
	s10 =	sshrl.u32 s10, $0x3;
	s7 =	sadd.s32 $0x7400, s9  }
0xd: {  	s8 =	sadd.s32 $0x14400, s8;
	s9 =	smax.u32 s11, $0x1;
	s11 =	simm.s32 $0x1  }
.LBB2_1:
0xe: {  	[spmem:s10], [sflag:s6] =	dma.local [hbm:s5], $0x2780  }
0xf: {  	_ =	swait.ge [sflag:s11], $0x2780  }
0x10: {  	[sflag:s11] =	ssyncset.done $0x0  }
0x11: {  	[sflag:s11] =	ssyncadd.s32 $0xFFFFD880  }
0x12: {  	[tilespmem:s12], [sflag:$0x1] =	stream.linear.gather [hbm4b:s4+s3], $0x4000, $0x38;
	[tilespmem:$0x1A400] =	vst v63  }
0x13: {  	_ =	swait.ge [sflag:s11], $0x4000  }
0x14: {  	[sflag:s11] =	ssyncset.done $0x0  }
0x15: {  	[sflag:s11] =	ssyncadd.s32 $0xFFFFC000  }
0x16: {  	[tilespmem:s3], [sflag:$0x1] =	stream.linear.gather [hbm4b:s7+s3], $0x2780, $0x38;
	[tilespmem:$0x1A400] =	vst v63  }
0x17: {  	_ =	swait.ge [sflag:s11], $0x2780  }
0x18: {  	[sflag:s11] =	ssyncset.done $0x0  }
0x19: {  	[sflag:s11] =	ssyncadd.s32 $0xFFFFD880  }
0x1a: {  	s15 =	simm.s32 $0x0;
	[bflag:$0x0] =	sbarrier.arrive $0xFFFF  }
0x1b: {  	[spmem:s2] =	stream.indirect.scatter.add.f32 [tilespmem:s12], [sflag:$0x1], $0x80, s15, s13, $0xb8;
	[tilespmem:$0x1A400] =	vst v63  }
0x1c: {  	_ =	swait.ge [sflag:s11], $0x4000  }
0x1d: {  	s15 =	simm.s32 $0x200;
	[sflag:s11] =	ssyncset.done $0x0  }
.LBB2_2:
0x1e: {  	s16 =	sshra.s32 s15, $0x2;
	[sflag:s11] =	ssyncadd.s32 $0xFFFFC000;
	p0 =	sne.s32 s15, $0x9C00  }
0x1f: {  	[spmem:s2] =	stream.indirect.scatter.add.f32 [tilespmem:s12], [sflag:$0x1], $0x80, s16, s13, $0xb8;
	[tilespmem:$0x1A400] =	vst v63  }
.Ltmp0:
0x20: {  	_ = 	snop;
	(pc) =	sbr.rel @p0 .LBB2_2-.Ltmp0, $4  }
0x21: {  	_ = 	snop  }
0x22: {  	s15 =	sadd.s32 $0x200, s15  }
0x23: {  	_ =	swait.ge [sflag:s11], $0x4000  }
0x24: {  	[sflag:s11] =	ssyncset.done $0x0  }
0x25: {  	s14 =	sadd.s32 $0x1, s14  }
0x26: {  	[sflag:s11] =	ssyncadd.s32 $0xFFFFC000;
	p0 =	sne.s32 s14, s9  }
.Ltmp1:
0x27: {  	[bflag:$0x0] =	sbarrier.arrive $0xFFFF;
	(pc) =	sbr.rel @p0 .LBB2_1-.Ltmp1, $4  }
0x28: {  	[hbm:s8], [sflag:s6] =	dma.local [spmem:s10], $0x2780  }
0x29: {  	_ =	swait.ge [sflag:s11], $0x2780  }
0x2a: {  	[sflag:s11] =	ssyncset.done $0x0  }
0x2b: {  	[sflag:s11] =	ssyncadd.s32 $0xFFFFD880  }
0x2c: {  	_ =	sfence.sel $0x180000  }
0x2d: {  	[bflag:$0x0] =	sbarrier.arrive $0xFFFF  }
0x2e: {  	p0 =	sne.s32 s0, $0x0;
	_ =	strace $0x90000047  }
0x2f: {  	s0 =	sadd.s32 @!p0 $0x100000, s1;
	[bflag:$0x2] =	sbarrier.arrive $0xFFFF  }
0x30: {  	[sflag:s0] =	ssyncadd.tile.s32 @!p0 $0x1;
	_ =	shalt  }
.Lfunc_end2:
_tile_overlayer_lowered:
.L_overlay_start_2:
0x31: {  	(tag) =	ssettag $0x2  }
0x32: {  	s0 =	rddreg [dreg:$0x0];
	s2 =	stileid.u32  }
0x33: {  	s1 =	rddreg [dreg:$0x1];
	p0 =	sne.s32 s2, $0x0  }
0x34: {  	s3 =	rddreg [dreg:$0x2];
	[bflag:$0x3] =	sbarrier.arrive $0xFFFF;
	s2 =	simm.s32 @!p0 $0x1C01  }
0x35: {  	[timem:s3], [sflag:s2] =	dma.local @!p0 [hbm:s0], s1  }
0x36: {  	s0 =	simm.s32 @!p0 $0x1  }
0x37: {  	_ =	swait.ge @!p0 [sflag:s0], s1  }
0x38: {  	s1 =	ssub.s32 @!p0 $0x0, s1;
	[sflag:s0] =	ssyncset.done @!p0 $0x0  }
0x39: {  	[sflag:s0] =	ssyncadd.s32 @!p0 s1  }
0x3a: {  	[bflag:$0x3] =	sbarrier.arrive $0xFFFF  }
0x3b: {  	_ =	shalt  }

// kernel: kernel.18.cloned.1.call-start
scs
__scs_entry_jumppad:
0x0: {  	(pc) =	sbr.rel $0x88, $3  }
0x1: {  	(tag) =	ssettag $0x0;
	lr =	simm.s32 $0x1  }
0x2: {  	[smem:$0x3F87] =	sst lr;
	_ =	strace $0xD0000000  }
0x3: {  	_ = 	snop  }
0x4: {  	_ = 	snop  }
0x5: {  	_ = 	snop  }
0x6: {  	_ = 	snop  }
0x7: {  	_ = 	snop  }
__scs_overlays_trampoline_lowered:
0x8: {  	[smem:$0x3F96] =	sst s0  }
0x9: {  	[smem:$0x3F97] =	sst s1  }
0xa: {  	[smem:$0x3F98] =	sst s2  }
0xb: {  	[smem:$0x3F99] =	sst s3  }
0xc: {  	[smem:$0x3F9A] =	sst s4  }
0xd: {  	[smem:$0x3F9B] =	sst s5  }
0xe: {  	[smem:$0x3F9C] =	sst s6  }
0xf: {  	[smem:$0x3F9D] =	sst s7  }
0x10: {  	[smem:$0x3F9E] =	sst s8  }
0x11: {  	[smem:$0x3F9F] =	sst s9;
	s0 =	simm.s32 @!p0 $0x0  }
0x12: {  	s1 =	sld [smem:$0x3F85];
	s0 =	simm.s32 @p0 $0x1  }
0x13: {  	[smem:$0x3FA0] =	sst s0;
	s0 =	simm.s32 @!p1 $0x0  }
0x14: {  	s2 =	sld [smem:$0x3F84];
	s0 =	simm.s32 @p1 $0x1  }
0x15: {  	[smem:$0x3FA1] =	sst s0;
	s0 =	simm.s32 @!p2 $0x0  }
0x16: {  	s3 =	sld [smem:$0x3FDB];
	s0 =	simm.s32 @p2 $0x1  }
0x17: {  	s4 =	simm.s32 $0x1BF5;
	[smem:$0x3FA3] =	sst s0  }
0x18: {  	s0 =	sld [smem:$0x3F86];
	_ =	swait.ge [sflag:s4], $0x0  }
0x19: {  	s7 =	sld [smem:$0x3F87]  }
0x1a: {  	s8 =	sadd.s32 $0xFFFFE003, lr  }
0x1b: {  	s9 =	sadd.s32 $0xFFFFFEF7, lr;
	s5 =	simm.s32 $0xFFFFFFFF;
	p2 =	slt.u32 s8, $0xFFFFF086  }
0x1c: {  	p1 =	slt.u32 s9, $0xF7A;
	s5 =	simm.s32 @!p2 $0x0  }
0x1d: {  	s5 =	simm.s32 @p1 $0x1;
	p0 =	seq.s32 s7, s2  }
0x1e: {  	s7 =	smul.u32 @!p0 $0xF7A, s2;
	p2 =	seq.s32 @!p0 s5, $0x0  }
0x1f: {  	s9 =	smul.u32 $0xF7A, s1;
	s8 =	simm.s32 @!p0 $0x1BF5;
	p2 =	por !p2, p0  }
0x20: {  	[sflag:s8] =	ssyncset.s32 @!p0 $0xFFFFF086;
	s6 =	sadd.s32 @!p0 s3, s7;
	s7 =	simm.s32 @!p0 $0x108  }
0x21: {  	s3 =	sadd.s32 s3, s9;
	s6 =	sadd.s32 @!p0 $0x88, s6;
	s7 =	simm.s32 @p2 $0x1082  }
0x22: {  	[simem:s7], [sflag:s8] =	dma.local @!p0 [hbm:s6], $0xF7A  }
0x23: {  	s9 =	sor.u32 $0xD0000000, s2;
	s6 =	simm.s32 $0x108;
	_ =	swait.ge @!p0 [sflag:s8], $0x0  }
0x24: {  	s3 =	sadd.s32 $0x88, s3;
	s6 =	simm.s32 @!p1 $0x1082;
	[sflag:s4] =	ssyncset.s32 $0xFFFFF086  }
0x25: {  	[simem:s6], [sflag:s4] =	dma.local [hbm:s3], $0xF7A  }
0x26: {  	[smem:$0x3F87] =	sst s1;
	(tag) =	ssettag s2;
	_ =	strace s9  }
0x27: {  	s1 =	sld [smem:$0x3F97]  }
0x28: {  	s2 =	sld [smem:$0x3F98]  }
0x29: {  	s4 =	sld [smem:$0x3F9A]  }
0x2a: {  	p0 =	seq.s32 s5, $0x0;
	s5 =	sld [smem:$0x3F9B]  }
0x2b: {  	s6 =	sld [smem:$0x3F9C]  }
0x2c: {  	s7 =	sld [smem:$0x3F9D]  }
0x2d: {  	s3 =	simm.s32 $0x108;
	s8 =	sld [smem:$0x3F9E]  }
0x2e: {  	s3 =	simm.s32 @!p0 $0x1082;
	s9 =	sld [smem:$0x3F9F]  }
0x2f: {  	lr =	sadd.s32 s0, s3;
	s0 =	sld [smem:$0x3F96]  }
0x30: {  	s3 =	sld [smem:$0x3F99]  }
0x31: {  	[smem:$0x3FA2] =	sst s10  }
0x32: {  	s10 =	sld [smem:$0x3FA0];
	_ =	sdelay $0x3  }
0x33: {  	p0 =	seq.s32 s10, $0x1;
	s10 =	sld [smem:$0x3FA2];
	_ =	sdelay $0x3  }
0x34: {  	[smem:$0x3FA2] =	sst s10  }
0x35: {  	s10 =	sld [smem:$0x3FA1];
	_ =	sdelay $0x3  }
0x36: {  	p1 =	seq.s32 s10, $0x1;
	s10 =	sld [smem:$0x3FA2];
	_ =	sdelay $0x3  }
0x37: {  	[smem:$0x3FA2] =	sst s10  }
0x38: {  	s10 =	sld [smem:$0x3FA3]  }
0x39: {  	_ = 	snop;
	(pc) =	sbr.ind lr, $3  }
0x3a: {  	_ = 	snop  }
0x3b: {  	_ = 	snop  }
0x3c: {  	p2 =	seq.s32 s10, $0x1;
	s10 =	sld [smem:$0x3FA2]  }
0x3d: {  	_ =	shalt  }
0x3e: {  	_ =	shalt  }
0x3f: {  	_ =	shalt  }
0x40: {  	_ =	shalt  }
0x41: {  	_ =	shalt  }
0x42: {  	_ =	shalt  }
0x43: {  	_ =	shalt  }
0x44: {  	_ =	shalt  }
0x45: {  	_ =	shalt  }
0x46: {  	_ =	shalt  }
0x47: {  	_ =	shalt  }
0x48: {  	_ =	shalt  }
0x49: {  	_ =	shalt  }
0x4a: {  	_ =	shalt  }
0x4b: {  	_ =	shalt  }
0x4c: {  	_ =	shalt  }
0x4d: {  	_ =	shalt  }
0x4e: {  	_ =	shalt  }
0x4f: {  	_ =	shalt  }
0x50: {  	_ =	shalt  }
0x51: {  	_ =	shalt  }
0x52: {  	_ =	shalt  }
0x53: {  	_ =	shalt  }
0x54: {  	_ =	shalt  }
0x55: {  	_ =	shalt  }
0x56: {  	_ =	shalt  }
0x57: {  	_ =	shalt  }
0x58: {  	_ =	shalt  }
0x59: {  	_ =	shalt  }
0x5a: {  	_ =	shalt  }
0x5b: {  	_ =	shalt  }
0x5c: {  	_ =	shalt  }
0x5d: {  	_ =	shalt  }
0x5e: {  	_ =	shalt  }
0x5f: {  	_ =	shalt  }
0x60: {  	_ =	shalt  }
0x61: {  	_ =	shalt  }
0x62: {  	_ =	shalt  }
0x63: {  	_ =	shalt  }
0x64: {  	_ =	shalt  }
0x65: {  	_ =	shalt  }
0x66: {  	_ =	shalt  }
0x67: {  	_ =	shalt  }
0x68: {  	_ =	shalt  }
0x69: {  	_ =	shalt  }
0x6a: {  	_ =	shalt  }
0x6b: {  	_ =	shalt  }
0x6c: {  	_ =	shalt  }
0x6d: {  	_ =	shalt  }
0x6e: {  	_ =	shalt  }
0x6f: {  	_ =	shalt  }
0x70: {  	_ =	shalt  }
0x71: {  	_ =	shalt  }
0x72: {  	_ =	shalt  }
0x73: {  	_ =	shalt  }
0x74: {  	_ =	shalt  }
0x75: {  	_ =	shalt  }
0x76: {  	_ =	shalt  }
0x77: {  	_ =	shalt  }
0x78: {  	_ =	shalt  }
0x79: {  	_ =	shalt  }
0x7a: {  	_ =	shalt  }
0x7b: {  	_ =	shalt  }
0x7c: {  	_ =	shalt  }
0x7d: {  	_ =	shalt  }
0x7e: {  	_ =	shalt  }
0x7f: {  	_ =	shalt  }
0x80: {  	_ =	shalt  }
0x81: {  	_ =	shalt  }
0x82: {  	_ =	shalt  }
0x83: {  	_ =	shalt  }
0x84: {  	_ =	shalt  }
0x85: {  	_ =	shalt  }
0x86: {  	_ =	shalt  }
0x87: {  	_ =	shalt  }
.Lfunc_end0:
.L_simem_size_0:
called_computation.1_lowered:
.L_overlay_start_0:
0x88: {  	s2 =	sld [smem:$0x3FD9]  }
0x89: {  	s3 =	sld [smem:$0x3FFE];
	_ =	sdelay $0x1  }
0x8a: {  	s1 =	srdreg.scid  }
0x8b: {  	s0 =	sand.u32 $0x1, s1  }
0x8c: {  	s16 =	sshll.u32 s0, $0xA;
	s2 =	sadd.s32 s3, s2  }
0x8d: {  	s2 =	sadd.s32 s2, s16  }
0x8e: {  	[smem:$0x3FAE] =	sst s2  }
0x8f: {  	_ = 	snop  }
0x90: {  	(tm) =	ssettm $0x1  }
0x91: {  	s17 =	sld [smem:$0x3FFB];
	_ =	sdelay $0x3  }
0x92: {  	_ =	strace s17  }
0x93: {  	s2 =	sld [smem:$0x3FFC];
	_ =	sdelay $0x3  }
0x94: {  	_ =	strace s2  }
0x95: {  	s2 =	sld [smem:$0x3FFD];
	_ =	sdelay $0x3  }
0x96: {  	_ =	strace s2  }
0x97: {  	_ =	strace $0x8FFFFFFF  }
0x98: {  	s18 =	sld [smem:$0x3FDB];
	_ =	sdelay $0x1  }
0x99: {  	s19 =	simm.s32 $_scs_section_size  }
0x9a: {  	s4 =	simm.s32 $_size__tile_overlayer_lowered;
	s5 =	simm.s32 $_tile_overlayer_lowered  }
0x9b: {  	s22 =	simm.s32 $0x1BFF;
	s21 =	sshll.u32 s5, $0x1;
	s2 =	sadd.s32 s19, s18  }
0x9c: {  	s6 =	simm.s32 $0x0;
	s20 =	sshll.u32 s4, $0x1;
	s4 =	sadd.s32 s21, s2  }
0x9d: {  	[timem:s6], [sflag:s22] =	dma.local [hbm:s4], s20  }
0x9e: {  	_ =	swait.ge [sflag:s22], s20  }
0x9f: {  	s3 =	ssub.s32 $0x0, s20;
	[sflag:s22] =	ssyncset.done $0x0  }
0xa0: {  	[sflag:s22] =	ssyncadd.s32 s3;
	_ =	sdelay $0x1  }
0xa1: {  	s23 =	simm.s32 $0x1B8B  }
0xa2: {  	_ =	swait.ge [sflag:s23], $0x1  }
0xa3: {  	[sflag:s23] =	ssyncset.done $0x0  }
0xa4: {  	s25 =	simm.s32 $0x1B8E;
	s24 =	sld [smem:$0x3FFE];
	[sflag:s23] =	ssyncadd.s32 $0xFFFFFFFF  }
0xa5: {  	s26 =	simm.s32 $execute0_lowered;
	[smem:$0x3FD2] =	sst s25  }
0xa6: {  	s4 =	sshll.u32 s26, $0x1;
	_ =	strace $0x80000049;
	[dreg:$0x1] =	wrdreg $0xFFFFFFFF  }
0xa7: {  	s28 =	simm.s32 $_size_execute0_lowered;
	s2 =	sadd.s32 s2, s4;
	[dreg:$0x0] =	wrdreg $0x0  }
0xa8: {  	s4 =	sshll.u32 s28, $0x1;
	[dreg:$0x2] =	wrdreg s2  }
0xa9: {  	[dreg:$0x3] =	wrdreg s4  }
0xaa: {  	[dreg:$0x4] =	wrdreg $0xC0  }
0xab: {  	_ =	task [dreg:s6], $0x5FFFF  }
0xac: {  	[dreg:$0x1] =	wrdreg $0xFFFFFFFF  }
0xad: {  	[dreg:$0x0] =	wrdreg $0x60  }
0xae: {  	[dreg:$0x2] =	wrdreg s24  }
0xaf: {  	[dreg:$0x3] =	wrdreg $0x90000  }
0xb0: {  	[dreg:$0x4] =	wrdreg $0x9  }
0xb1: {  	_ =	task.clear_ibuf [dreg:s6], $0x5FFFF;
	_ =	strace $0x90000049  }
0xb2: {  	s29 =	simm.s32 $0x9;
	_ =	strace $0x8000004B  }
0xb3: {  	_ =	swait.ge [sflag:s29], $0x1  }
0xb4: {  	[sflag:s29] =	ssyncadd.s32 $0xFFFFFFFF  }
0xb5: {  	_ =	strace $0x9000004B  }
0xb6: {  	_ =	sfence  }
0xb7: {  	s30 =	sld [smem:$0x0];
	_ =	sdelay $0x2  }
0xb8: {  	s31 =	sshll.u32 s1, $0xD;
	s1 =	sshrl.u32 s1, $0x2  }
0xb9: {  	s3 =	sand.u32 $0x4000, s31;
	s1 =	sadd.s32 s1, s30  }
0xba: {  	s0 =	sor.u32 s3, s0;
	s1 =	sshll.u32 s1, $0x11  }
0xbb: {  	s0 =	sor.u32 s1, s0  }
0xbc: {  	s0 =	sadd.s32 $0x8F2B, s0  }
0xbd: {  	[sflag:s0] =	ssyncadd.remote.s32 $0x1  }
0xbe: {  	_ =	sfence.sel $0xFFFF  }
0xbf: {  	[dreg:$0x0] =	wrdreg $0xFFFFFFFF;
	(pc) =	sbr.abs _section_cstart, $3  }
0xc0: {  	[dreg:$0x1] =	wrdreg $0xFFFFFFFF  }
0xc1: {  	_ =	task.clear_ibuf [dreg:s6], $0x2FFFF;
	_ =	strace $0x9FFFFFFF  }
0xc2: {  	(tm) =	ssettm $0x7FFFFFFF  }
0xc3: {  	_ =	shalt  }
tec
execute0_lowered:
.L_overlay_start_1:
0x0: {  	(tag) =	ssettag $0x1  }
0x1: {  	s0 =	srdreg.scid;
	s6 =	rddreg [dreg:$0x0]  }
0x2: {  	s2 =	rddreg [dreg:$0x1];
	s3 =	simm.s32 $0x0;
	s14 =	simm.s32 $0x80  }
0x3: {  	s15 =	simm.s32 $0x5000;
	s5 =	sand.u32 $0x1, s0;
	s0 =	stileid.u32  }
0x4: {  	s16 =	simm.s32 $0x0;
	[smem:$0x7FF] =	sst s3;
	s8 =	smul.u32 $0x13C000, s5  }
0x5: {  	s4 =	sadd.s32 $0x13C00, s6;
	s1 =	sshll.u32 s5, $0x4;
	s9 =	smul.u32 $0x13C00, s0  }
0x6: {  	s26 =	ssub.s32 $0x2, s5;
	s28 =	smul.u32 $0x4F000, s0;
	s5 =	sadd.s32 $0x11400, s6  }
0x7: {  	s31 =	sshll.u32 s0, $0x6;
	s1 =	sor.u32 s0, s1;
	s29 =	sshrl.u32 s26, $0x1  }
0x8: {  	s7 =	smul.u32 $0x500, s1;
	s1 =	rddreg [dreg:$0x2];
	_ =	strace $0x8000004A  }
0x9: {  	s25 =	sadd.s32 s9, s8;
	s12 =	ssub.s32 s26, s29;
	s30 =	sshrl.u32 s28, $0x2  }
0xa: {  	s13 =	sadd.s32 s30, s2;
	s10 =	sadd.s32 s7, s6;
	s7 =	sshrl.u32 s25, $0x3  }
0xb: {  	s11 =	sadd.s32 s7, s6;
	s6 =	sor.u32 $0x1C01, s31;
	s7 =	sadd.s32 $0x63400, s10  }
0xc: {  	s8 =	sadd.s32 $0x7400, s10;
	s10 =	smax.u32 s12, $0x1;
	s12 =	simm.s32 $0x1  }
0xd: {  	s9 =	sadd.s32 $0x6D400, s11;
	s11 =	sshrl.u32 s13, $0x3;
	s13 =	simm.s32 $0x2800  }
.LBB2_1:
0xe: {  	[spmem:s11], [sflag:s6] =	dma.local [hbm:s5], $0x2780  }
0xf: {  	_ =	swait.ge [sflag:s12], $0x2780  }
0x10: {  	[sflag:s12] =	ssyncset.done $0x0  }
0x11: {  	[sflag:s12] =	ssyncadd.s32 $0xFFFFD880  }
0x12: {  	[tilespmem:s3], [sflag:$0x1] =	stream.linear.gather [hbm4b:s7+s3], $0x2780, $0x38;
	[tilespmem:$0x1CC00] =	vst v63  }
0x13: {  	_ =	swait.ge [sflag:s12], $0x2780  }
0x14: {  	[sflag:s12] =	ssyncset.done $0x0  }
0x15: {  	[sflag:s12] =	ssyncadd.s32 $0xFFFFD880  }
0x16: {  	[tilespmem:s13], [sflag:$0x1] =	stream.linear.gather [hbm4b:s8+s3], $0x2780, $0x38;
	[tilespmem:$0x1CC00] =	vst v63  }
0x17: {  	_ =	swait.ge [sflag:s12], $0x2780  }
0x18: {  	[sflag:s12] =	ssyncset.done $0x0  }
0x19: {  	[sflag:s12] =	ssyncadd.s32 $0xFFFFD880  }
0x1a: {  	s17 =	simm.s32 $0x0;
	[bflag:$0x0] =	sbarrier.arrive $0xFFFF  }
0x1b: {  	[tilespmem:s15], [sflag:$0x1] =	stream.indirect.gather [hbm4b:s4+s14], $0x80, s17, s14, $0xb8;
	[tilespmem:$0x1CC00] =	vst v63  }
0x1c: {  	_ =	swait.ge [sflag:s12], $0x4000  }
0x1d: {  	[sflag:s12] =	ssyncset.done $0x0  }
0x1e: {  	s31 =	simm.s32 $0x2800;
	[sflag:s12] =	ssyncadd.s32 $0xFFFFC000  }
0x1f: {  	[spmem:s2] =	stream.indirect.scatter.add.f32 [tilespmem:s15], [sflag:$0x1], $0x80, s31, s14, $0xb8;
	[tilespmem:$0x1CC00] =	vst v63  }
0x20: {  	_ =	swait.ge [sflag:s12], $0x4000  }
0x21: {  	s18 =	simm.s32 $0x400;
	s17 =	simm.s32 $0x200;
	[sflag:s12] =	ssyncset.done $0x0  }
.LBB2_2:
0x22: {  	s19 =	sshra.s32 s17, $0x2  }
0x23: {  	[sflag:s12] =	ssyncadd.s32 $0xFFFFC000;
	s17 =	smov.u32 s18;
	s20 =	sadd.s32 $0x200, s18  }
0x24: {  	[tilespmem:s15], [sflag:$0x1] =	stream.indirect.gather [hbm4b:s4+s14], $0x80, s19, s14, $0xb8;
	[tilespmem:$0x1CC00] =	vst v63  }
0x25: {  	p0 =	sne.s32 s18, $0x9C00;
	_ =	swait.ge [sflag:s12], $0x4000  }
.Ltmp0:
0x26: {  	[sflag:s12] =	ssyncset.done $0x0;
	(pc) =	sbr.rel @p0 .LBB2_2-.Ltmp0, $4  }
0x27: {  	s18 =	sadd.s32 $0x2800, s19;
	[sflag:s12] =	ssyncadd.s32 $0xFFFFC000  }
0x28: {  	[spmem:s2] =	stream.indirect.scatter.add.f32 [tilespmem:s15], [sflag:$0x1], $0x80, s18, s14, $0xb8;
	[tilespmem:$0x1CC00] =	vst v63  }
0x29: {  	_ =	swait.ge [sflag:s12], $0x4000  }
0x2a: {  	s18 =	smov.u32 s20;
	[sflag:s12] =	ssyncset.done $0x0  }
0x2b: {  	s17 =	sshra.s32 s17, $0x2;
	[sflag:s12] =	ssyncadd.s32 $0xFFFFC000  }
0x2c: {  	[tilespmem:s15], [sflag:$0x1] =	stream.indirect.gather [hbm4b:s4+s14], $0x80, s17, s14, $0xb8;
	[tilespmem:$0x1CC00] =	vst v63  }
0x2d: {  	_ =	swait.ge [sflag:s12], $0x4000  }
0x2e: {  	[sflag:s12] =	ssyncset.done $0x0  }
0x2f: {  	s17 =	sadd.s32 $0x2800, s17;
	[sflag:s12] =	ssyncadd.s32 $0xFFFFC000  }
0x30: {  	[spmem:s2] =	stream.indirect.scatter.add.f32 [tilespmem:s15], [sflag:$0x1], $0x80, s17, s14, $0xb8;
	[tilespmem:$0x1CC00] =	vst v63  }
0x31: {  	_ =	swait.ge [sflag:s12], $0x4000  }
0x32: {  	s16 =	sadd.s32 $0x1, s16;
	[sflag:s12] =	ssyncset.done $0x0  }
0x33: {  	p0 =	sne.s32 s16, s10;
	[sflag:s12] =	ssyncadd.s32 $0xFFFFC000  }
.Ltmp1:
0x34: {  	[bflag:$0x0] =	sbarrier.arrive $0xFFFF;
	(pc) =	sbr.rel @p0 .LBB2_1-.Ltmp1, $4  }
0x35: {  	[hbm:s9], [sflag:s6] =	dma.local [spmem:s11], $0x2780  }
0x36: {  	_ =	swait.ge [sflag:s12], $0x2780  }
0x37: {  	[sflag:s12] =	ssyncset.done $0x0  }
0x38: {  	[sflag:s12] =	ssyncadd.s32 $0xFFFFD880  }
0x39: {  	_ =	sfence.sel $0x180000  }
0x3a: {  	[bflag:$0x0] =	sbarrier.arrive $0xFFFF  }
0x3b: {  	p0 =	sne.s32 s0, $0x0;
	_ =	strace $0x9000004A  }
0x3c: {  	s0 =	sadd.s32 @!p0 $0x100000, s1;
	[bflag:$0x2] =	sbarrier.arrive $0xFFFF  }
0x3d: {  	[sflag:s0] =	ssyncadd.tile.s32 @!p0 $0x1;
	_ =	shalt  }
.Lfunc_end2:
_tile_overlayer_lowered:
.L_overlay_start_2:
0x3e: {  	(tag) =	ssettag $0x2  }
0x3f: {  	s0 =	rddreg [dreg:$0x0];
	s2 =	stileid.u32  }
0x40: {  	s1 =	rddreg [dreg:$0x1];
	p0 =	sne.s32 s2, $0x0  }
0x41: {  	s3 =	rddreg [dreg:$0x2];
	[bflag:$0x3] =	sbarrier.arrive $0xFFFF;
	s2 =	simm.s32 @!p0 $0x1C01  }
0x42: {  	[timem:s3], [sflag:s2] =	dma.local @!p0 [hbm:s0], s1  }
0x43: {  	s0 =	simm.s32 @!p0 $0x1  }
0x44: {  	_ =	swait.ge @!p0 [sflag:s0], s1  }
0x45: {  	s1 =	ssub.s32 @!p0 $0x0, s1;
	[sflag:s0] =	ssyncset.done @!p0 $0x0  }
0x46: {  	[sflag:s0] =	ssyncadd.s32 @!p0 s1  }
0x47: {  	[bflag:$0x3] =	sbarrier.arrive $0xFFFF  }
0x48: {  	_ =	shalt  }

// kernel: kernel.21.cloned.1.call-start
scs
__scs_entry_jumppad:
0x0: {  	(pc) =	sbr.rel $0x88, $3  }
0x1: {  	(tag) =	ssettag $0x0;
	lr =	simm.s32 $0x1  }
0x2: {  	[smem:$0x3F87] =	sst lr;
	_ =	strace $0xD0000000  }
0x3: {  	_ = 	snop  }
0x4: {  	_ = 	snop  }
0x5: {  	_ = 	snop  }
0x6: {  	_ = 	snop  }
0x7: {  	_ = 	snop  }
__scs_overlays_trampoline_lowered:
0x8: {  	[smem:$0x3F96] =	sst s0  }
0x9: {  	[smem:$0x3F97] =	sst s1  }
0xa: {  	[smem:$0x3F98] =	sst s2  }
0xb: {  	[smem:$0x3F99] =	sst s3  }
0xc: {  	[smem:$0x3F9A] =	sst s4  }
0xd: {  	[smem:$0x3F9B] =	sst s5  }
0xe: {  	[smem:$0x3F9C] =	sst s6  }
0xf: {  	[smem:$0x3F9D] =	sst s7  }
0x10: {  	[smem:$0x3F9E] =	sst s8  }
0x11: {  	[smem:$0x3F9F] =	sst s9;
	s0 =	simm.s32 @!p0 $0x0  }
0x12: {  	s1 =	sld [smem:$0x3F85];
	s0 =	simm.s32 @p0 $0x1  }
0x13: {  	[smem:$0x3FA0] =	sst s0;
	s0 =	simm.s32 @!p1 $0x0  }
0x14: {  	s2 =	sld [smem:$0x3F84];
	s0 =	simm.s32 @p1 $0x1  }
0x15: {  	[smem:$0x3FA1] =	sst s0;
	s0 =	simm.s32 @!p2 $0x0  }
0x16: {  	s3 =	sld [smem:$0x3FDB];
	s0 =	simm.s32 @p2 $0x1  }
0x17: {  	s4 =	simm.s32 $0x1BF5;
	[smem:$0x3FA3] =	sst s0  }
0x18: {  	s0 =	sld [smem:$0x3F86];
	_ =	swait.ge [sflag:s4], $0x0  }
0x19: {  	s7 =	sld [smem:$0x3F87]  }
0x1a: {  	s8 =	sadd.s32 $0xFFFFE003, lr  }
0x1b: {  	s9 =	sadd.s32 $0xFFFFFEF7, lr;
	s5 =	simm.s32 $0xFFFFFFFF;
	p2 =	slt.u32 s8, $0xFFFFF086  }
0x1c: {  	p1 =	slt.u32 s9, $0xF7A;
	s5 =	simm.s32 @!p2 $0x0  }
0x1d: {  	s5 =	simm.s32 @p1 $0x1;
	p0 =	seq.s32 s7, s2  }
0x1e: {  	s7 =	smul.u32 @!p0 $0xF7A, s2;
	p2 =	seq.s32 @!p0 s5, $0x0  }
0x1f: {  	s9 =	smul.u32 $0xF7A, s1;
	s8 =	simm.s32 @!p0 $0x1BF5;
	p2 =	por !p2, p0  }
0x20: {  	[sflag:s8] =	ssyncset.s32 @!p0 $0xFFFFF086;
	s6 =	sadd.s32 @!p0 s3, s7;
	s7 =	simm.s32 @!p0 $0x108  }
0x21: {  	s3 =	sadd.s32 s3, s9;
	s6 =	sadd.s32 @!p0 $0x88, s6;
	s7 =	simm.s32 @p2 $0x1082  }
0x22: {  	[simem:s7], [sflag:s8] =	dma.local @!p0 [hbm:s6], $0xF7A  }
0x23: {  	s9 =	sor.u32 $0xD0000000, s2;
	s6 =	simm.s32 $0x108;
	_ =	swait.ge @!p0 [sflag:s8], $0x0  }
0x24: {  	s3 =	sadd.s32 $0x88, s3;
	s6 =	simm.s32 @!p1 $0x1082;
	[sflag:s4] =	ssyncset.s32 $0xFFFFF086  }
0x25: {  	[simem:s6], [sflag:s4] =	dma.local [hbm:s3], $0xF7A  }
0x26: {  	[smem:$0x3F87] =	sst s1;
	(tag) =	ssettag s2;
	_ =	strace s9  }
0x27: {  	s1 =	sld [smem:$0x3F97]  }
0x28: {  	s2 =	sld [smem:$0x3F98]  }
0x29: {  	s4 =	sld [smem:$0x3F9A]  }
0x2a: {  	p0 =	seq.s32 s5, $0x0;
	s5 =	sld [smem:$0x3F9B]  }
0x2b: {  	s6 =	sld [smem:$0x3F9C]  }
0x2c: {  	s7 =	sld [smem:$0x3F9D]  }
0x2d: {  	s3 =	simm.s32 $0x108;
	s8 =	sld [smem:$0x3F9E]  }
0x2e: {  	s3 =	simm.s32 @!p0 $0x1082;
	s9 =	sld [smem:$0x3F9F]  }
0x2f: {  	lr =	sadd.s32 s0, s3;
	s0 =	sld [smem:$0x3F96]  }
0x30: {  	s3 =	sld [smem:$0x3F99]  }
0x31: {  	[smem:$0x3FA2] =	sst s10  }
0x32: {  	s10 =	sld [smem:$0x3FA0];
	_ =	sdelay $0x3  }
0x33: {  	p0 =	seq.s32 s10, $0x1;
	s10 =	sld [smem:$0x3FA2];
	_ =	sdelay $0x3  }
0x34: {  	[smem:$0x3FA2] =	sst s10  }
0x35: {  	s10 =	sld [smem:$0x3FA1];
	_ =	sdelay $0x3  }
0x36: {  	p1 =	seq.s32 s10, $0x1;
	s10 =	sld [smem:$0x3FA2];
	_ =	sdelay $0x3  }
0x37: {  	[smem:$0x3FA2] =	sst s10  }
0x38: {  	s10 =	sld [smem:$0x3FA3]  }
0x39: {  	_ = 	snop;
	(pc) =	sbr.ind lr, $3  }
0x3a: {  	_ = 	snop  }
0x3b: {  	_ = 	snop  }
0x3c: {  	p2 =	seq.s32 s10, $0x1;
	s10 =	sld [smem:$0x3FA2]  }
0x3d: {  	_ =	shalt  }
0x3e: {  	_ =	shalt  }
0x3f: {  	_ =	shalt  }
0x40: {  	_ =	shalt  }
0x41: {  	_ =	shalt  }
0x42: {  	_ =	shalt  }
0x43: {  	_ =	shalt  }
0x44: {  	_ =	shalt  }
0x45: {  	_ =	shalt  }
0x46: {  	_ =	shalt  }
0x47: {  	_ =	shalt  }
0x48: {  	_ =	shalt  }
0x49: {  	_ =	shalt  }
0x4a: {  	_ =	shalt  }
0x4b: {  	_ =	shalt  }
0x4c: {  	_ =	shalt  }
0x4d: {  	_ =	shalt  }
0x4e: {  	_ =	shalt  }
0x4f: {  	_ =	shalt  }
0x50: {  	_ =	shalt  }
0x51: {  	_ =	shalt  }
0x52: {  	_ =	shalt  }
0x53: {  	_ =	shalt  }
0x54: {  	_ =	shalt  }
0x55: {  	_ =	shalt  }
0x56: {  	_ =	shalt  }
0x57: {  	_ =	shalt  }
0x58: {  	_ =	shalt  }
0x59: {  	_ =	shalt  }
0x5a: {  	_ =	shalt  }
0x5b: {  	_ =	shalt  }
0x5c: {  	_ =	shalt  }
0x5d: {  	_ =	shalt  }
0x5e: {  	_ =	shalt  }
0x5f: {  	_ =	shalt  }
0x60: {  	_ =	shalt  }
0x61: {  	_ =	shalt  }
0x62: {  	_ =	shalt  }
0x63: {  	_ =	shalt  }
0x64: {  	_ =	shalt  }
0x65: {  	_ =	shalt  }
0x66: {  	_ =	shalt  }
0x67: {  	_ =	shalt  }
0x68: {  	_ =	shalt  }
0x69: {  	_ =	shalt  }
0x6a: {  	_ =	shalt  }
0x6b: {  	_ =	shalt  }
0x6c: {  	_ =	shalt  }
0x6d: {  	_ =	shalt  }
0x6e: {  	_ =	shalt  }
0x6f: {  	_ =	shalt  }
0x70: {  	_ =	shalt  }
0x71: {  	_ =	shalt  }
0x72: {  	_ =	shalt  }
0x73: {  	_ =	shalt  }
0x74: {  	_ =	shalt  }
0x75: {  	_ =	shalt  }
0x76: {  	_ =	shalt  }
0x77: {  	_ =	shalt  }
0x78: {  	_ =	shalt  }
0x79: {  	_ =	shalt  }
0x7a: {  	_ =	shalt  }
0x7b: {  	_ =	shalt  }
0x7c: {  	_ =	shalt  }
0x7d: {  	_ =	shalt  }
0x7e: {  	_ =	shalt  }
0x7f: {  	_ =	shalt  }
0x80: {  	_ =	shalt  }
0x81: {  	_ =	shalt  }
0x82: {  	_ =	shalt  }
0x83: {  	_ =	shalt  }
0x84: {  	_ =	shalt  }
0x85: {  	_ =	shalt  }
0x86: {  	_ =	shalt  }
0x87: {  	_ =	shalt  }
.Lfunc_end0:
.L_simem_size_0:
called_computation.2_lowered:
.L_overlay_start_0:
0x88: {  	s2 =	sld [smem:$0x3FD9]  }
0x89: {  	s3 =	sld [smem:$0x3FFE];
	_ =	sdelay $0x1  }
0x8a: {  	s1 =	srdreg.scid  }
0x8b: {  	s0 =	sand.u32 $0x1, s1  }
0x8c: {  	s16 =	sshll.u32 s0, $0xA;
	s2 =	sadd.s32 s3, s2  }
0x8d: {  	s2 =	sadd.s32 s2, s16  }
0x8e: {  	[smem:$0x3FAE] =	sst s2  }
0x8f: {  	_ = 	snop  }
0x90: {  	(tm) =	ssettm $0x1  }
0x91: {  	s17 =	sld [smem:$0x3FFB];
	_ =	sdelay $0x3  }
0x92: {  	_ =	strace s17  }
0x93: {  	s2 =	sld [smem:$0x3FFC];
	_ =	sdelay $0x3  }
0x94: {  	_ =	strace s2  }
0x95: {  	s2 =	sld [smem:$0x3FFD];
	_ =	sdelay $0x3  }
0x96: {  	_ =	strace s2  }
0x97: {  	_ =	strace $0x8FFFFFFF  }
0x98: {  	s18 =	sld [smem:$0x3FDB];
	_ =	sdelay $0x1  }
0x99: {  	s19 =	simm.s32 $_scs_section_size  }
0x9a: {  	s4 =	simm.s32 $_size__tile_overlayer_lowered;
	s5 =	simm.s32 $_tile_overlayer_lowered  }
0x9b: {  	s22 =	simm.s32 $0x1BFF;
	s21 =	sshll.u32 s5, $0x1;
	s2 =	sadd.s32 s19, s18  }
0x9c: {  	s6 =	simm.s32 $0x0;
	s20 =	sshll.u32 s4, $0x1;
	s4 =	sadd.s32 s21, s2  }
0x9d: {  	[timem:s6], [sflag:s22] =	dma.local [hbm:s4], s20  }
0x9e: {  	_ =	swait.ge [sflag:s22], s20  }
0x9f: {  	s3 =	ssub.s32 $0x0, s20;
	[sflag:s22] =	ssyncset.done $0x0  }
0xa0: {  	[sflag:s22] =	ssyncadd.s32 s3;
	_ =	sdelay $0x1  }
0xa1: {  	s23 =	simm.s32 $0x1B8B  }
0xa2: {  	_ =	swait.ge [sflag:s23], $0x1  }
0xa3: {  	[sflag:s23] =	ssyncset.done $0x0  }
0xa4: {  	s25 =	simm.s32 $0x1B8E;
	s24 =	sld [smem:$0x3FFE];
	[sflag:s23] =	ssyncadd.s32 $0xFFFFFFFF  }
0xa5: {  	s26 =	simm.s32 $execute0_lowered;
	[smem:$0x3FD2] =	sst s25  }
0xa6: {  	s4 =	sshll.u32 s26, $0x1;
	_ =	strace $0x8000004C;
	[dreg:$0x1] =	wrdreg $0xFFFFFFFF  }
0xa7: {  	s28 =	simm.s32 $_size_execute0_lowered;
	s2 =	sadd.s32 s2, s4;
	[dreg:$0x0] =	wrdreg $0x0  }
0xa8: {  	s4 =	sshll.u32 s28, $0x1;
	[dreg:$0x2] =	wrdreg s2  }
0xa9: {  	[dreg:$0x3] =	wrdreg s4  }
0xaa: {  	[dreg:$0x4] =	wrdreg $0xC0  }
0xab: {  	_ =	task [dreg:s6], $0x5FFFF  }
0xac: {  	[dreg:$0x1] =	wrdreg $0xFFFFFFFF  }
0xad: {  	[dreg:$0x0] =	wrdreg $0x60  }
0xae: {  	[dreg:$0x2] =	wrdreg s24  }
0xaf: {  	[dreg:$0x3] =	wrdreg $0x90000  }
0xb0: {  	[dreg:$0x4] =	wrdreg $0x9  }
0xb1: {  	_ =	task.clear_ibuf [dreg:s6], $0x5FFFF;
	_ =	strace $0x9000004C  }
0xb2: {  	s29 =	simm.s32 $0x9;
	_ =	strace $0x8000004E  }
0xb3: {  	_ =	swait.ge [sflag:s29], $0x1  }
0xb4: {  	[sflag:s29] =	ssyncadd.s32 $0xFFFFFFFF  }
0xb5: {  	_ =	strace $0x9000004E  }
0xb6: {  	_ =	sfence  }
0xb7: {  	s30 =	sld [smem:$0x0];
	_ =	sdelay $0x2  }
0xb8: {  	s31 =	sshll.u32 s1, $0xD;
	s1 =	sshrl.u32 s1, $0x2  }
0xb9: {  	s3 =	sand.u32 $0x4000, s31;
	s1 =	sadd.s32 s1, s30  }
0xba: {  	s0 =	sor.u32 s3, s0;
	s1 =	sshll.u32 s1, $0x11  }
0xbb: {  	s0 =	sor.u32 s1, s0  }
0xbc: {  	s0 =	sadd.s32 $0x8F2B, s0  }
0xbd: {  	[sflag:s0] =	ssyncadd.remote.s32 $0x1  }
0xbe: {  	_ =	sfence.sel $0xFFFF  }
0xbf: {  	[dreg:$0x0] =	wrdreg $0xFFFFFFFF;
	(pc) =	sbr.abs _section_cstart, $3  }
0xc0: {  	[dreg:$0x1] =	wrdreg $0xFFFFFFFF  }
0xc1: {  	_ =	task.clear_ibuf [dreg:s6], $0x2FFFF;
	_ =	strace $0x9FFFFFFF  }
0xc2: {  	(tm) =	ssettm $0x7FFFFFFF  }
0xc3: {  	_ =	shalt  }
tec
execute0_lowered:
.L_overlay_start_1:
0x0: {  	(tag) =	ssettag $0x1  }
0x1: {  	s0 =	srdreg.scid;
	s6 =	rddreg [dreg:$0x0]  }
0x2: {  	s2 =	rddreg [dreg:$0x1];
	s3 =	simm.s32 $0x0;
	s14 =	simm.s32 $0x80  }
0x3: {  	s15 =	simm.s32 $0x5000;
	s5 =	sand.u32 $0x1, s0;
	s0 =	stileid.u32  }
0x4: {  	s16 =	simm.s32 $0x0;
	[smem:$0x7FF] =	sst s3;
	s8 =	smul.u32 $0x13C000, s5  }
0x5: {  	s4 =	sadd.s32 $0x13C00, s6;
	s1 =	sshll.u32 s5, $0x4;
	s9 =	smul.u32 $0x13C00, s0  }
0x6: {  	s26 =	ssub.s32 $0x2, s5;
	s28 =	smul.u32 $0x4F000, s0;
	s5 =	sadd.s32 $0x11400, s6  }
0x7: {  	s31 =	sshll.u32 s0, $0x6;
	s1 =	sor.u32 s0, s1;
	s29 =	sshrl.u32 s26, $0x1  }
0x8: {  	s7 =	smul.u32 $0x500, s1;
	s1 =	rddreg [dreg:$0x2];
	_ =	strace $0x8000004D  }
0x9: {  	s25 =	sadd.s32 s9, s8;
	s12 =	ssub.s32 s26, s29;
	s30 =	sshrl.u32 s28, $0x2  }
0xa: {  	s13 =	sadd.s32 s30, s2;
	s10 =	sadd.s32 s7, s6;
	s7 =	sshrl.u32 s25, $0x3  }
0xb: {  	s11 =	sadd.s32 s7, s6;
	s6 =	sor.u32 $0x1C01, s31;
	s7 =	sadd.s32 $0x63400, s10  }
0xc: {  	s8 =	sadd.s32 $0x7400, s10;
	s10 =	smax.u32 s12, $0x1;
	s12 =	simm.s32 $0x1  }
0xd: {  	s9 =	sadd.s32 $0x6D400, s11;
	s11 =	sshrl.u32 s13, $0x3;
	s13 =	simm.s32 $0x2800  }
.LBB2_1:
0xe: {  	[spmem:s11], [sflag:s6] =	dma.local [hbm:s5], $0x2780  }
0xf: {  	_ =	swait.ge [sflag:s12], $0x2780  }
0x10: {  	[sflag:s12] =	ssyncset.done $0x0  }
0x11: {  	[sflag:s12] =	ssyncadd.s32 $0xFFFFD880  }
0x12: {  	[tilespmem:s3], [sflag:$0x1] =	stream.linear.gather [hbm4b:s7+s3], $0x2780, $0x38;
	[tilespmem:$0x1CC00] =	vst v63  }
0x13: {  	_ =	swait.ge [sflag:s12], $0x2780  }
0x14: {  	[sflag:s12] =	ssyncset.done $0x0  }
0x15: {  	[sflag:s12] =	ssyncadd.s32 $0xFFFFD880  }
0x16: {  	[tilespmem:s13], [sflag:$0x1] =	stream.linear.gather [hbm4b:s8+s3], $0x2780, $0x38;
	[tilespmem:$0x1CC00] =	vst v63  }
0x17: {  	_ =	swait.ge [sflag:s12], $0x2780  }
0x18: {  	[sflag:s12] =	ssyncset.done $0x0  }
0x19: {  	[sflag:s12] =	ssyncadd.s32 $0xFFFFD880  }
0x1a: {  	s17 =	simm.s32 $0x0;
	[bflag:$0x0] =	sbarrier.arrive $0xFFFF  }
0x1b: {  	[tilespmem:s15], [sflag:$0x1] =	stream.indirect.gather [hbm4b:s4+s14], $0x80, s17, s14, $0xb8;
	[tilespmem:$0x1CC00] =	vst v63  }
0x1c: {  	_ =	swait.ge [sflag:s12], $0x4000  }
0x1d: {  	[sflag:s12] =	ssyncset.done $0x0  }
0x1e: {  	s31 =	simm.s32 $0x2800;
	[sflag:s12] =	ssyncadd.s32 $0xFFFFC000  }
0x1f: {  	[spmem:s2] =	stream.indirect.scatter.add.f32 [tilespmem:s15], [sflag:$0x1], $0x80, s31, s14, $0xb8;
	[tilespmem:$0x1CC00] =	vst v63  }
0x20: {  	_ =	swait.ge [sflag:s12], $0x4000  }
0x21: {  	s18 =	simm.s32 $0x400;
	s17 =	simm.s32 $0x200;
	[sflag:s12] =	ssyncset.done $0x0  }
.LBB2_2:
0x22: {  	s19 =	sshra.s32 s17, $0x2  }
0x23: {  	[sflag:s12] =	ssyncadd.s32 $0xFFFFC000;
	s17 =	smov.u32 s18;
	s20 =	sadd.s32 $0x200, s18  }
0x24: {  	[tilespmem:s15], [sflag:$0x1] =	stream.indirect.gather [hbm4b:s4+s14], $0x80, s19, s14, $0xb8;
	[tilespmem:$0x1CC00] =	vst v63  }
0x25: {  	p0 =	sne.s32 s18, $0x9C00;
	_ =	swait.ge [sflag:s12], $0x4000  }
.Ltmp0:
0x26: {  	[sflag:s12] =	ssyncset.done $0x0;
	(pc) =	sbr.rel @p0 .LBB2_2-.Ltmp0, $4  }
0x27: {  	s18 =	sadd.s32 $0x2800, s19;
	[sflag:s12] =	ssyncadd.s32 $0xFFFFC000  }
0x28: {  	[spmem:s2] =	stream.indirect.scatter.add.f32 [tilespmem:s15], [sflag:$0x1], $0x80, s18, s14, $0xb8;
	[tilespmem:$0x1CC00] =	vst v63  }
0x29: {  	_ =	swait.ge [sflag:s12], $0x4000  }
0x2a: {  	s18 =	smov.u32 s20;
	[sflag:s12] =	ssyncset.done $0x0  }
0x2b: {  	s17 =	sshra.s32 s17, $0x2;
	[sflag:s12] =	ssyncadd.s32 $0xFFFFC000  }
0x2c: {  	[tilespmem:s15], [sflag:$0x1] =	stream.indirect.gather [hbm4b:s4+s14], $0x80, s17, s14, $0xb8;
	[tilespmem:$0x1CC00] =	vst v63  }
0x2d: {  	_ =	swait.ge [sflag:s12], $0x4000  }
0x2e: {  	[sflag:s12] =	ssyncset.done $0x0  }
0x2f: {  	s17 =	sadd.s32 $0x2800, s17;
	[sflag:s12] =	ssyncadd.s32 $0xFFFFC000  }
0x30: {  	[spmem:s2] =	stream.indirect.scatter.add.f32 [tilespmem:s15], [sflag:$0x1], $0x80, s17, s14, $0xb8;
	[tilespmem:$0x1CC00] =	vst v63  }
0x31: {  	_ =	swait.ge [sflag:s12], $0x4000  }
0x32: {  	s16 =	sadd.s32 $0x1, s16;
	[sflag:s12] =	ssyncset.done $0x0  }
0x33: {  	p0 =	sne.s32 s16, s10;
	[sflag:s12] =	ssyncadd.s32 $0xFFFFC000  }
.Ltmp1:
0x34: {  	[bflag:$0x0] =	sbarrier.arrive $0xFFFF;
	(pc) =	sbr.rel @p0 .LBB2_1-.Ltmp1, $4  }
0x35: {  	[hbm:s9], [sflag:s6] =	dma.local [spmem:s11], $0x2780  }
0x36: {  	_ =	swait.ge [sflag:s12], $0x2780  }
0x37: {  	[sflag:s12] =	ssyncset.done $0x0  }
0x38: {  	[sflag:s12] =	ssyncadd.s32 $0xFFFFD880  }
0x39: {  	_ =	sfence.sel $0x180000  }
0x3a: {  	[bflag:$0x0] =	sbarrier.arrive $0xFFFF  }
0x3b: {  	p0 =	sne.s32 s0, $0x0;
	_ =	strace $0x9000004D  }
0x3c: {  	s0 =	sadd.s32 @!p0 $0x100000, s1;
	[bflag:$0x2] =	sbarrier.arrive $0xFFFF  }
0x3d: {  	[sflag:s0] =	ssyncadd.tile.s32 @!p0 $0x1;
	_ =	shalt  }
.Lfunc_end2:
_tile_overlayer_lowered:
.L_overlay_start_2:
0x3e: {  	(tag) =	ssettag $0x2  }
0x3f: {  	s0 =	rddreg [dreg:$0x0];
	s2 =	stileid.u32  }
0x40: {  	s1 =	rddreg [dreg:$0x1];
	p0 =	sne.s32 s2, $0x0  }
0x41: {  	s3 =	rddreg [dreg:$0x2];
	[bflag:$0x3] =	sbarrier.arrive $0xFFFF;
	s2 =	simm.s32 @!p0 $0x1C01  }
0x42: {  	[timem:s3], [sflag:s2] =	dma.local @!p0 [hbm:s0], s1  }
0x43: {  	s0 =	simm.s32 @!p0 $0x1  }
0x44: {  	_ =	swait.ge @!p0 [sflag:s0], s1  }
0x45: {  	s1 =	ssub.s32 @!p0 $0x0, s1;
	[sflag:s0] =	ssyncset.done @!p0 $0x0  }
0x46: {  	[sflag:s0] =	ssyncadd.s32 @!p0 s1  }
0x47: {  	[bflag:$0x3] =	sbarrier.arrive $0xFFFF  }
0x48: {  	_ =	shalt  }

// kernel: kernel.24.cloned.1.call-start
scs
__scs_entry_jumppad:
0x0: {  	(pc) =	sbr.rel $0x88, $3  }
0x1: {  	(tag) =	ssettag $0x0;
	lr =	simm.s32 $0x1  }
0x2: {  	[smem:$0x3F87] =	sst lr;
	_ =	strace $0xD0000000  }
0x3: {  	_ = 	snop  }
0x4: {  	_ = 	snop  }
0x5: {  	_ = 	snop  }
0x6: {  	_ = 	snop  }
0x7: {  	_ = 	snop  }
__scs_overlays_trampoline_lowered:
0x8: {  	[smem:$0x3F96] =	sst s0  }
0x9: {  	[smem:$0x3F97] =	sst s1  }
0xa: {  	[smem:$0x3F98] =	sst s2  }
0xb: {  	[smem:$0x3F99] =	sst s3  }
0xc: {  	[smem:$0x3F9A] =	sst s4  }
0xd: {  	[smem:$0x3F9B] =	sst s5  }
0xe: {  	[smem:$0x3F9C] =	sst s6  }
0xf: {  	[smem:$0x3F9D] =	sst s7  }
0x10: {  	[smem:$0x3F9E] =	sst s8  }
0x11: {  	[smem:$0x3F9F] =	sst s9;
	s0 =	simm.s32 @!p0 $0x0  }
0x12: {  	s1 =	sld [smem:$0x3F85];
	s0 =	simm.s32 @p0 $0x1  }
0x13: {  	[smem:$0x3FA0] =	sst s0;
	s0 =	simm.s32 @!p1 $0x0  }
0x14: {  	s2 =	sld [smem:$0x3F84];
	s0 =	simm.s32 @p1 $0x1  }
0x15: {  	[smem:$0x3FA1] =	sst s0;
	s0 =	simm.s32 @!p2 $0x0  }
0x16: {  	s3 =	sld [smem:$0x3FDB];
	s0 =	simm.s32 @p2 $0x1  }
0x17: {  	s4 =	simm.s32 $0x1BF5;
	[smem:$0x3FA3] =	sst s0  }
0x18: {  	s0 =	sld [smem:$0x3F86];
	_ =	swait.ge [sflag:s4], $0x0  }
0x19: {  	s7 =	sld [smem:$0x3F87]  }
0x1a: {  	s8 =	sadd.s32 $0xFFFFE003, lr  }
0x1b: {  	s9 =	sadd.s32 $0xFFFFFEF7, lr;
	s5 =	simm.s32 $0xFFFFFFFF;
	p2 =	slt.u32 s8, $0xFFFFF086  }
0x1c: {  	p1 =	slt.u32 s9, $0xF7A;
	s5 =	simm.s32 @!p2 $0x0  }
0x1d: {  	s5 =	simm.s32 @p1 $0x1;
	p0 =	seq.s32 s7, s2  }
0x1e: {  	s7 =	smul.u32 @!p0 $0xF7A, s2;
	p2 =	seq.s32 @!p0 s5, $0x0  }
0x1f: {  	s9 =	smul.u32 $0xF7A, s1;
	s8 =	simm.s32 @!p0 $0x1BF5;
	p2 =	por !p2, p0  }
0x20: {  	[sflag:s8] =	ssyncset.s32 @!p0 $0xFFFFF086;
	s6 =	sadd.s32 @!p0 s3, s7;
	s7 =	simm.s32 @!p0 $0x108  }
0x21: {  	s3 =	sadd.s32 s3, s9;
	s6 =	sadd.s32 @!p0 $0x88, s6;
	s7 =	simm.s32 @p2 $0x1082  }
0x22: {  	[simem:s7], [sflag:s8] =	dma.local @!p0 [hbm:s6], $0xF7A  }
0x23: {  	s9 =	sor.u32 $0xD0000000, s2;
	s6 =	simm.s32 $0x108;
	_ =	swait.ge @!p0 [sflag:s8], $0x0  }
0x24: {  	s3 =	sadd.s32 $0x88, s3;
	s6 =	simm.s32 @!p1 $0x1082;
	[sflag:s4] =	ssyncset.s32 $0xFFFFF086  }
0x25: {  	[simem:s6], [sflag:s4] =	dma.local [hbm:s3], $0xF7A  }
0x26: {  	[smem:$0x3F87] =	sst s1;
	(tag) =	ssettag s2;
	_ =	strace s9  }
0x27: {  	s1 =	sld [smem:$0x3F97]  }
0x28: {  	s2 =	sld [smem:$0x3F98]  }
0x29: {  	s4 =	sld [smem:$0x3F9A]  }
0x2a: {  	p0 =	seq.s32 s5, $0x0;
	s5 =	sld [smem:$0x3F9B]  }
0x2b: {  	s6 =	sld [smem:$0x3F9C]  }
0x2c: {  	s7 =	sld [smem:$0x3F9D]  }
0x2d: {  	s3 =	simm.s32 $0x108;
	s8 =	sld [smem:$0x3F9E]  }
0x2e: {  	s3 =	simm.s32 @!p0 $0x1082;
	s9 =	sld [smem:$0x3F9F]  }
0x2f: {  	lr =	sadd.s32 s0, s3;
	s0 =	sld [smem:$0x3F96]  }
0x30: {  	s3 =	sld [smem:$0x3F99]  }
0x31: {  	[smem:$0x3FA2] =	sst s10  }
0x32: {  	s10 =	sld [smem:$0x3FA0];
	_ =	sdelay $0x3  }
0x33: {  	p0 =	seq.s32 s10, $0x1;
	s10 =	sld [smem:$0x3FA2];
	_ =	sdelay $0x3  }
0x34: {  	[smem:$0x3FA2] =	sst s10  }
0x35: {  	s10 =	sld [smem:$0x3FA1];
	_ =	sdelay $0x3  }
0x36: {  	p1 =	seq.s32 s10, $0x1;
	s10 =	sld [smem:$0x3FA2];
	_ =	sdelay $0x3  }
0x37: {  	[smem:$0x3FA2] =	sst s10  }
0x38: {  	s10 =	sld [smem:$0x3FA3]  }
0x39: {  	_ = 	snop;
	(pc) =	sbr.ind lr, $3  }
0x3a: {  	_ = 	snop  }
0x3b: {  	_ = 	snop  }
0x3c: {  	p2 =	seq.s32 s10, $0x1;
	s10 =	sld [smem:$0x3FA2]  }
0x3d: {  	_ =	shalt  }
0x3e: {  	_ =	shalt  }
0x3f: {  	_ =	shalt  }
0x40: {  	_ =	shalt  }
0x41: {  	_ =	shalt  }
0x42: {  	_ =	shalt  }
0x43: {  	_ =	shalt  }
0x44: {  	_ =	shalt  }
0x45: {  	_ =	shalt  }
0x46: {  	_ =	shalt  }
0x47: {  	_ =	shalt  }
0x48: {  	_ =	shalt  }
0x49: {  	_ =	shalt  }
0x4a: {  	_ =	shalt  }
0x4b: {  	_ =	shalt  }
0x4c: {  	_ =	shalt  }
0x4d: {  	_ =	shalt  }
0x4e: {  	_ =	shalt  }
0x4f: {  	_ =	shalt  }
0x50: {  	_ =	shalt  }
0x51: {  	_ =	shalt  }
0x52: {  	_ =	shalt  }
0x53: {  	_ =	shalt  }
0x54: {  	_ =	shalt  }
0x55: {  	_ =	shalt  }
0x56: {  	_ =	shalt  }
0x57: {  	_ =	shalt  }
0x58: {  	_ =	shalt  }
0x59: {  	_ =	shalt  }
0x5a: {  	_ =	shalt  }
0x5b: {  	_ =	shalt  }
0x5c: {  	_ =	shalt  }
0x5d: {  	_ =	shalt  }
0x5e: {  	_ =	shalt  }
0x5f: {  	_ =	shalt  }
0x60: {  	_ =	shalt  }
0x61: {  	_ =	shalt  }
0x62: {  	_ =	shalt  }
0x63: {  	_ =	shalt  }
0x64: {  	_ =	shalt  }
0x65: {  	_ =	shalt  }
0x66: {  	_ =	shalt  }
0x67: {  	_ =	shalt  }
0x68: {  	_ =	shalt  }
0x69: {  	_ =	shalt  }
0x6a: {  	_ =	shalt  }
0x6b: {  	_ =	shalt  }
0x6c: {  	_ =	shalt  }
0x6d: {  	_ =	shalt  }
0x6e: {  	_ =	shalt  }
0x6f: {  	_ =	shalt  }
0x70: {  	_ =	shalt  }
0x71: {  	_ =	shalt  }
0x72: {  	_ =	shalt  }
0x73: {  	_ =	shalt  }
0x74: {  	_ =	shalt  }
0x75: {  	_ =	shalt  }
0x76: {  	_ =	shalt  }
0x77: {  	_ =	shalt  }
0x78: {  	_ =	shalt  }
0x79: {  	_ =	shalt  }
0x7a: {  	_ =	shalt  }
0x7b: {  	_ =	shalt  }
0x7c: {  	_ =	shalt  }
0x7d: {  	_ =	shalt  }
0x7e: {  	_ =	shalt  }
0x7f: {  	_ =	shalt  }
0x80: {  	_ =	shalt  }
0x81: {  	_ =	shalt  }
0x82: {  	_ =	shalt  }
0x83: {  	_ =	shalt  }
0x84: {  	_ =	shalt  }
0x85: {  	_ =	shalt  }
0x86: {  	_ =	shalt  }
0x87: {  	_ =	shalt  }
.Lfunc_end0:
.L_simem_size_0:
called_computation.3_lowered:
.L_overlay_start_0:
0x88: {  	s2 =	sld [smem:$0x3FD9]  }
0x89: {  	s3 =	sld [smem:$0x3FFE];
	_ =	sdelay $0x1  }
0x8a: {  	s1 =	srdreg.scid  }
0x8b: {  	s0 =	sand.u32 $0x1, s1  }
0x8c: {  	s16 =	sshll.u32 s0, $0xA;
	s2 =	sadd.s32 s3, s2  }
0x8d: {  	s2 =	sadd.s32 s2, s16  }
0x8e: {  	[smem:$0x3FAE] =	sst s2  }
0x8f: {  	_ = 	snop  }
0x90: {  	(tm) =	ssettm $0x1  }
0x91: {  	s17 =	sld [smem:$0x3FFB];
	_ =	sdelay $0x3  }
0x92: {  	_ =	strace s17  }
0x93: {  	s2 =	sld [smem:$0x3FFC];
	_ =	sdelay $0x3  }
0x94: {  	_ =	strace s2  }
0x95: {  	s2 =	sld [smem:$0x3FFD];
	_ =	sdelay $0x3  }
0x96: {  	_ =	strace s2  }
0x97: {  	_ =	strace $0x8FFFFFFF  }
0x98: {  	s18 =	sld [smem:$0x3FDB];
	_ =	sdelay $0x1  }
0x99: {  	s19 =	simm.s32 $_scs_section_size  }
0x9a: {  	s4 =	simm.s32 $_size__tile_overlayer_lowered;
	s5 =	simm.s32 $_tile_overlayer_lowered  }
0x9b: {  	s22 =	simm.s32 $0x1BFF;
	s21 =	sshll.u32 s5, $0x1;
	s2 =	sadd.s32 s19, s18  }
0x9c: {  	s6 =	simm.s32 $0x0;
	s20 =	sshll.u32 s4, $0x1;
	s4 =	sadd.s32 s21, s2  }
0x9d: {  	[timem:s6], [sflag:s22] =	dma.local [hbm:s4], s20  }
0x9e: {  	_ =	swait.ge [sflag:s22], s20  }
0x9f: {  	s3 =	ssub.s32 $0x0, s20;
	[sflag:s22] =	ssyncset.done $0x0  }
0xa0: {  	[sflag:s22] =	ssyncadd.s32 s3;
	_ =	sdelay $0x1  }
0xa1: {  	s23 =	simm.s32 $0x1B8B  }
0xa2: {  	_ =	swait.ge [sflag:s23], $0x1  }
0xa3: {  	[sflag:s23] =	ssyncset.done $0x0  }
0xa4: {  	s25 =	simm.s32 $0x1B8E;
	s24 =	sld [smem:$0x3FFE];
	[sflag:s23] =	ssyncadd.s32 $0xFFFFFFFF  }
0xa5: {  	s26 =	simm.s32 $execute0_lowered;
	[smem:$0x3FD2] =	sst s25  }
0xa6: {  	s4 =	sshll.u32 s26, $0x1;
	_ =	strace $0x8000004F;
	[dreg:$0x1] =	wrdreg $0xFFFFFFFF  }
0xa7: {  	s28 =	simm.s32 $_size_execute0_lowered;
	s2 =	sadd.s32 s2, s4;
	[dreg:$0x0] =	wrdreg $0x0  }
0xa8: {  	s4 =	sshll.u32 s28, $0x1;
	[dreg:$0x2] =	wrdreg s2  }
0xa9: {  	[dreg:$0x3] =	wrdreg s4  }
0xaa: {  	[dreg:$0x4] =	wrdreg $0xC0  }
0xab: {  	_ =	task [dreg:s6], $0x5FFFF  }
0xac: {  	[dreg:$0x1] =	wrdreg $0xFFFFFFFF  }
0xad: {  	[dreg:$0x0] =	wrdreg $0x60  }
0xae: {  	[dreg:$0x2] =	wrdreg s24  }
0xaf: {  	[dreg:$0x3] =	wrdreg $0x90000  }
0xb0: {  	[dreg:$0x4] =	wrdreg $0x9  }
0xb1: {  	_ =	task.clear_ibuf [dreg:s6], $0x5FFFF;
	_ =	strace $0x9000004F  }
0xb2: {  	s29 =	simm.s32 $0x9;
	_ =	strace $0x80000051  }
0xb3: {  	_ =	swait.ge [sflag:s29], $0x1  }
0xb4: {  	[sflag:s29] =	ssyncadd.s32 $0xFFFFFFFF  }
0xb5: {  	_ =	strace $0x90000051  }
0xb6: {  	_ =	sfence  }
0xb7: {  	s30 =	sld [smem:$0x0];
	_ =	sdelay $0x2  }
0xb8: {  	s31 =	sshll.u32 s1, $0xD;
	s1 =	sshrl.u32 s1, $0x2  }
0xb9: {  	s3 =	sand.u32 $0x4000, s31;
	s1 =	sadd.s32 s1, s30  }
0xba: {  	s0 =	sor.u32 s3, s0;
	s1 =	sshll.u32 s1, $0x11  }
0xbb: {  	s0 =	sor.u32 s1, s0  }
0xbc: {  	s0 =	sadd.s32 $0x8F2B, s0  }
0xbd: {  	[sflag:s0] =	ssyncadd.remote.s32 $0x1  }
0xbe: {  	_ =	sfence.sel $0xFFFF  }
0xbf: {  	[dreg:$0x0] =	wrdreg $0xFFFFFFFF;
	(pc) =	sbr.abs _section_cstart, $3  }
0xc0: {  	[dreg:$0x1] =	wrdreg $0xFFFFFFFF  }
0xc1: {  	_ =	task.clear_ibuf [dreg:s6], $0x2FFFF;
	_ =	strace $0x9FFFFFFF  }
0xc2: {  	(tm) =	ssettm $0x7FFFFFFF  }
0xc3: {  	_ =	shalt  }
tec
execute0_lowered:
.L_overlay_start_1:
0x0: {  	(tag) =	ssettag $0x1  }
0x1: {  	s0 =	srdreg.scid;
	s6 =	rddreg [dreg:$0x0]  }
0x2: {  	s2 =	rddreg [dreg:$0x1];
	s3 =	simm.s32 $0x0;
	s14 =	simm.s32 $0x80  }
0x3: {  	s15 =	simm.s32 $0x5000;
	s5 =	sand.u32 $0x1, s0;
	s0 =	stileid.u32  }
0x4: {  	s16 =	simm.s32 $0x0;
	[smem:$0x7FF] =	sst s3;
	s8 =	smul.u32 $0x13C000, s5  }
0x5: {  	s4 =	sadd.s32 $0x13C00, s6;
	s1 =	sshll.u32 s5, $0x4;
	s9 =	smul.u32 $0x13C00, s0  }
0x6: {  	s26 =	ssub.s32 $0x2, s5;
	s28 =	smul.u32 $0x4F000, s0;
	s5 =	sadd.s32 $0x11400, s6  }
0x7: {  	s31 =	sshll.u32 s0, $0x6;
	s1 =	sor.u32 s0, s1;
	s29 =	sshrl.u32 s26, $0x1  }
0x8: {  	s7 =	smul.u32 $0x500, s1;
	s1 =	rddreg [dreg:$0x2];
	_ =	strace $0x80000050  }
0x9: {  	s25 =	sadd.s32 s9, s8;
	s12 =	ssub.s32 s26, s29;
	s30 =	sshrl.u32 s28, $0x2  }
0xa: {  	s13 =	sadd.s32 s30, s2;
	s10 =	sadd.s32 s7, s6;
	s7 =	sshrl.u32 s25, $0x3  }
0xb: {  	s11 =	sadd.s32 s7, s6;
	s6 =	sor.u32 $0x1C01, s31;
	s7 =	sadd.s32 $0x63400, s10  }
0xc: {  	s8 =	sadd.s32 $0x7400, s10;
	s10 =	smax.u32 s12, $0x1;
	s12 =	simm.s32 $0x1  }
0xd: {  	s9 =	sadd.s32 $0x6D400, s11;
	s11 =	sshrl.u32 s13, $0x3;
	s13 =	simm.s32 $0x2800  }
.LBB2_1:
0xe: {  	[spmem:s11], [sflag:s6] =	dma.local [hbm:s5], $0x2780  }
0xf: {  	_ =	swait.ge [sflag:s12], $0x2780  }
0x10: {  	[sflag:s12] =	ssyncset.done $0x0  }
0x11: {  	[sflag:s12] =	ssyncadd.s32 $0xFFFFD880  }
0x12: {  	[tilespmem:s3], [sflag:$0x1] =	stream.linear.gather [hbm4b:s7+s3], $0x2780, $0x38;
	[tilespmem:$0x1CC00] =	vst v63  }
0x13: {  	_ =	swait.ge [sflag:s12], $0x2780  }
0x14: {  	[sflag:s12] =	ssyncset.done $0x0  }
0x15: {  	[sflag:s12] =	ssyncadd.s32 $0xFFFFD880  }
0x16: {  	[tilespmem:s13], [sflag:$0x1] =	stream.linear.gather [hbm4b:s8+s3], $0x2780, $0x38;
	[tilespmem:$0x1CC00] =	vst v63  }
0x17: {  	_ =	swait.ge [sflag:s12], $0x2780  }
0x18: {  	[sflag:s12] =	ssyncset.done $0x0  }
0x19: {  	[sflag:s12] =	ssyncadd.s32 $0xFFFFD880  }
0x1a: {  	s17 =	simm.s32 $0x0;
	[bflag:$0x0] =	sbarrier.arrive $0xFFFF  }
0x1b: {  	[tilespmem:s15], [sflag:$0x1] =	stream.indirect.gather [hbm4b:s4+s14], $0x80, s17, s14, $0xb8;
	[tilespmem:$0x1CC00] =	vst v63  }
0x1c: {  	_ =	swait.ge [sflag:s12], $0x4000  }
0x1d: {  	[sflag:s12] =	ssyncset.done $0x0  }
0x1e: {  	s31 =	simm.s32 $0x2800;
	[sflag:s12] =	ssyncadd.s32 $0xFFFFC000  }
0x1f: {  	[spmem:s2] =	stream.indirect.scatter.add.f32 [tilespmem:s15], [sflag:$0x1], $0x80, s31, s14, $0xb8;
	[tilespmem:$0x1CC00] =	vst v63  }
0x20: {  	_ =	swait.ge [sflag:s12], $0x4000  }
0x21: {  	s18 =	simm.s32 $0x400;
	s17 =	simm.s32 $0x200;
	[sflag:s12] =	ssyncset.done $0x0  }
.LBB2_2:
0x22: {  	s19 =	sshra.s32 s17, $0x2  }
0x23: {  	[sflag:s12] =	ssyncadd.s32 $0xFFFFC000;
	s17 =	smov.u32 s18;
	s20 =	sadd.s32 $0x200, s18  }
0x24: {  	[tilespmem:s15], [sflag:$0x1] =	stream.indirect.gather [hbm4b:s4+s14], $0x80, s19, s14, $0xb8;
	[tilespmem:$0x1CC00] =	vst v63  }
0x25: {  	p0 =	sne.s32 s18, $0x9C00;
	_ =	swait.ge [sflag:s12], $0x4000  }
.Ltmp0:
0x26: {  	[sflag:s12] =	ssyncset.done $0x0;
	(pc) =	sbr.rel @p0 .LBB2_2-.Ltmp0, $4  }
0x27: {  	s18 =	sadd.s32 $0x2800, s19;
	[sflag:s12] =	ssyncadd.s32 $0xFFFFC000  }
0x28: {  	[spmem:s2] =	stream.indirect.scatter.add.f32 [tilespmem:s15], [sflag:$0x1], $0x80, s18, s14, $0xb8;
	[tilespmem:$0x1CC00] =	vst v63  }
0x29: {  	_ =	swait.ge [sflag:s12], $0x4000  }
0x2a: {  	s18 =	smov.u32 s20;
	[sflag:s12] =	ssyncset.done $0x0  }
0x2b: {  	s17 =	sshra.s32 s17, $0x2;
	[sflag:s12] =	ssyncadd.s32 $0xFFFFC000  }
0x2c: {  	[tilespmem:s15], [sflag:$0x1] =	stream.indirect.gather [hbm4b:s4+s14], $0x80, s17, s14, $0xb8;
	[tilespmem:$0x1CC00] =	vst v63  }
0x2d: {  	_ =	swait.ge [sflag:s12], $0x4000  }
0x2e: {  	[sflag:s12] =	ssyncset.done $0x0  }
0x2f: {  	s17 =	sadd.s32 $0x2800, s17;
	[sflag:s12] =	ssyncadd.s32 $0xFFFFC000  }
0x30: {  	[spmem:s2] =	stream.indirect.scatter.add.f32 [tilespmem:s15], [sflag:$0x1], $0x80, s17, s14, $0xb8;
	[tilespmem:$0x1CC00] =	vst v63  }
0x31: {  	_ =	swait.ge [sflag:s12], $0x4000  }
0x32: {  	s16 =	sadd.s32 $0x1, s16;
	[sflag:s12] =	ssyncset.done $0x0  }
0x33: {  	p0 =	sne.s32 s16, s10;
	[sflag:s12] =	ssyncadd.s32 $0xFFFFC000  }
.Ltmp1:
0x34: {  	[bflag:$0x0] =	sbarrier.arrive $0xFFFF;
	(pc) =	sbr.rel @p0 .LBB2_1-.Ltmp1, $4  }
0x35: {  	[hbm:s9], [sflag:s6] =	dma.local [spmem:s11], $0x2780  }
0x36: {  	_ =	swait.ge [sflag:s12], $0x2780  }
0x37: {  	[sflag:s12] =	ssyncset.done $0x0  }
0x38: {  	[sflag:s12] =	ssyncadd.s32 $0xFFFFD880  }
0x39: {  	_ =	sfence.sel $0x180000  }
0x3a: {  	[bflag:$0x0] =	sbarrier.arrive $0xFFFF  }
0x3b: {  	p0 =	sne.s32 s0, $0x0;
	_ =	strace $0x90000050  }
0x3c: {  	s0 =	sadd.s32 @!p0 $0x100000, s1;
	[bflag:$0x2] =	sbarrier.arrive $0xFFFF  }
0x3d: {  	[sflag:s0] =	ssyncadd.tile.s32 @!p0 $0x1;
	_ =	shalt  }
.Lfunc_end2:
_tile_overlayer_lowered:
.L_overlay_start_2:
0x3e: {  	(tag) =	ssettag $0x2  }
0x3f: {  	s0 =	rddreg [dreg:$0x0];
	s2 =	stileid.u32  }
0x40: {  	s1 =	rddreg [dreg:$0x1];
	p0 =	sne.s32 s2, $0x0  }
0x41: {  	s3 =	rddreg [dreg:$0x2];
	[bflag:$0x3] =	sbarrier.arrive $0xFFFF;
	s2 =	simm.s32 @!p0 $0x1C01  }
0x42: {  	[timem:s3], [sflag:s2] =	dma.local @!p0 [hbm:s0], s1  }
0x43: {  	s0 =	simm.s32 @!p0 $0x1  }
0x44: {  	_ =	swait.ge @!p0 [sflag:s0], s1  }
0x45: {  	s1 =	ssub.s32 @!p0 $0x0, s1;
	[sflag:s0] =	ssyncset.done @!p0 $0x0  }
0x46: {  	[sflag:s0] =	ssyncadd.s32 @!p0 s1  }
0x47: {  	[bflag:$0x3] =	sbarrier.arrive $0xFFFF  }
0x48: {  	_ =	shalt  }

</sc_bundles>
